<compile_context>
chip_gen: v7x
topology: tpu7x:2x2x1
jax: 0.10.2.dev20260603
libtpu: 0.0.44.dev20260713+nightly
codegen_flags: <defaults>
</compile_context>

<pallas_src>
import functools

import jax
import jax.numpy as jnp
from jax import lax
from jax.experimental import pallas as pl
from jax.experimental.pallas import tpu as pltpu
from jax.experimental.pallas import tpu_sc as plsc

_B = 2048
_C = 1500
_BLK_B = 256
_GRID = _B // _BLK_B

_NC = 2
_NS = 16
_NW = _NC * _NS
_IMPL_PER_W = 384
_DIS_PER_W = 128
_N_IMPL_REAL = 10000
_N_DIS_REAL = 4000


def _tc_body(x_ref, t_ref, base_ref, s_ref, h_ref):
    step = pl.program_id(0)
    x = x_ref[...]
    t = t_ref[...]
    p = jax.nn.sigmoid(x)
    bce = jnp.maximum(x, 0.0) - x * t + jnp.log1p(jnp.exp(-jnp.abs(x)))
    h_part = lax.dot_general(
        p, p, (((0,), (0,)), ((), ())),
        preferred_element_type=jnp.float32,
        precision=lax.Precision.HIGHEST,
    )

    @pl.when(step == 0)
    def _():
        base_ref[0, 0] = 0.0
        s_ref[...] = jnp.zeros_like(s_ref)
        h_ref[...] = jnp.zeros_like(h_ref)

    base_ref[0, 0] += jnp.sum(bce)
    s_ref[...] += jnp.sum(p, axis=0, keepdims=True)
    h_ref[...] += h_part


def _tc_stats(x, t):
    return pl.pallas_call(
        _tc_body,
        grid=(_GRID,),
        in_specs=[
            pl.BlockSpec((_BLK_B, _C), lambda i: (i, 0)),
            pl.BlockSpec((_BLK_B, _C), lambda i: (i, 0)),
        ],
        out_specs=[
            pl.BlockSpec((1, 1), lambda i: (0, 0), memory_space=pltpu.SMEM),
            pl.BlockSpec((1, _C), lambda i: (0, 0)),
            pl.BlockSpec((_C, _C), lambda i: (0, 0)),
        ],
        out_shape=[
            jax.ShapeDtypeStruct((1, 1), jnp.float32),
            jax.ShapeDtypeStruct((1, _C), jnp.float32),
            jax.ShapeDtypeStruct((_C, _C), jnp.float32),
        ],
    )(x, t)


@functools.cache
def _build_sc_pair_sums():
    mesh = plsc.VectorSubcoreMesh(
        core_axis_name="c", subcore_axis_name="s",
        num_cores=_NC, num_subcores=_NS,
    )
    return pl.kernel(
        _sc_pair_sums_body,
        out_type=jax.ShapeDtypeStruct((_NW, 3, 16), jnp.float32),
        mesh=mesh,
        scratch_types=[
            pltpu.VMEM((_IMPL_PER_W,), jnp.int32),
            pltpu.VMEM((_IMPL_PER_W,), jnp.int32),
            pltpu.VMEM((_DIS_PER_W,), jnp.int32),
            pltpu.VMEM((_DIS_PER_W,), jnp.int32),
            pltpu.VMEM((3, 128), jnp.int32),
            pltpu.VMEM((3, 128), jnp.int32),
            pltpu.VMEM((_DIS_PER_W,), jnp.int32),
            pltpu.VMEM((_IMPL_PER_W,), jnp.float32),
            pltpu.VMEM((_IMPL_PER_W,), jnp.float32),
            pltpu.VMEM((_DIS_PER_W,), jnp.float32),
            pltpu.VMEM((3, 16), jnp.float32),
            pltpu.SemaphoreType.DMA,
        ],
    )


def _sc_pair_sums_body(h_hbm, s_hbm, il_hbm, ir_hbm, dl_hbm, dr_hbm, out_hbm,
                       il_v, ir_v, dl_v, dr_v, fidx_v, sidx_v, didx_v,
                       hvals_i, svals_i, hvals_d, out_v, sem):
    wid = lax.axis_index("s") * _NC + lax.axis_index("c")
    ibase = wid * _IMPL_PER_W
    dbase = wid * _DIS_PER_W

    pltpu.sync_copy(il_hbm.at[pl.ds(ibase, _IMPL_PER_W)], il_v)
    pltpu.sync_copy(ir_hbm.at[pl.ds(ibase, _IMPL_PER_W)], ir_v)
    pltpu.sync_copy(dl_hbm.at[pl.ds(dbase, _DIS_PER_W)], dl_v)
    pltpu.sync_copy(dr_hbm.at[pl.ds(dbase, _DIS_PER_W)], dr_v)

    for i in range(_IMPL_PER_W // 16):
        l16 = il_v[pl.ds(i * 16, 16)]
        r16 = ir_v[pl.ds(i * 16, 16)]
        fidx_v[i // 8, pl.ds((i % 8) * 16, 16)] = l16 * _C + r16
        sidx_v[i // 8, pl.ds((i % 8) * 16, 16)] = l16
    for i in range(_DIS_PER_W // 16):
        l16 = dl_v[pl.ds(i * 16, 16)]
        r16 = dr_v[pl.ds(i * 16, 16)]
        didx_v[pl.ds(i * 16, 16)] = l16 * _C + r16

    copies = []
    for j in range(3):
        copies.append(pltpu.async_copy(
            h_hbm.at[fidx_v.at[j]], hvals_i.at[pl.ds(j * 128, 128)], sem))
        copies.append(pltpu.async_copy(
            s_hbm.at[sidx_v.at[j]], svals_i.at[pl.ds(j * 128, 128)], sem))
    copies.append(pltpu.async_copy(h_hbm.at[didx_v], hvals_d, sem))
    for c in copies:
        c.wait()

    acc_s = jnp.zeros((16,), jnp.float32)
    acc_ih = jnp.zeros((16,), jnp.float32)
    acc_dh = jnp.zeros((16,), jnp.float32)
    lanes = lax.iota(jnp.int32, 16)
    for i in range(_IMPL_PER_W // 16):
        valid = (ibase + i * 16 + lanes) < _N_IMPL_REAL
        acc_ih = acc_ih + jnp.where(valid, hvals_i[pl.ds(i * 16, 16)], 0.0)
        acc_s = acc_s + jnp.where(valid, svals_i[pl.ds(i * 16, 16)], 0.0)
    for i in range(_DIS_PER_W // 16):
        valid = (dbase + i * 16 + lanes) < _N_DIS_REAL
        acc_dh = acc_dh + jnp.where(valid, hvals_d[pl.ds(i * 16, 16)], 0.0)

    out_v[0, :] = acc_s
    out_v[1, :] = acc_ih
    out_v[2, :] = acc_dh
    pltpu.sync_copy(out_v, out_hbm.at[wid])


def kernel(input, target, impl_l, impl_r, dis_l, dis_r):
    base_sum, s2d, h = _tc_stats(input, target)

    h_flat = h.reshape(_C * _C)
    s1d = s2d.reshape(_C)
    il = jnp.zeros((_NW * _IMPL_PER_W,), jnp.int32).at[:_N_IMPL_REAL].set(impl_l)
    ir = jnp.zeros((_NW * _IMPL_PER_W,), jnp.int32).at[:_N_IMPL_REAL].set(impl_r)
    dl = jnp.zeros((_NW * _DIS_PER_W,), jnp.int32).at[:_N_DIS_REAL].set(dis_l)
    dr = jnp.zeros((_NW * _DIS_PER_W,), jnp.int32).at[:_N_DIS_REAL].set(dis_r)

    partials = _build_sc_pair_sums()(h_flat, s1d, il, ir, dl, dr)
    sums = jnp.sum(partials, axis=(0, 2))

    base_loss = base_sum[0, 0] / (_B * _C)
    implication_loss = (sums[0] - sums[1]) / _B
    disjointness_loss = sums[2] / _B
    loss = base_loss + 0.1 * implication_loss
    total = loss + 100.0 * disjointness_loss
    return (total, base_loss, implication_loss, disjointness_loss)

# --- scband reference (transcript-rebuilt; emitter-appended) ---
"""Pipeline reference for scband-disjoint-loss-30666066494135 (READ-ONLY COPY).

The authoritative reference and input builder live on the scoring server;
editing this copy changes nothing except your own understanding.
"""

import jax, jax.numpy as jnp
import numpy as np

B = 2048
C = 1500
N_IMPL = 10000
N_DIS = 4000
IMPL_WEIGHT = 0.1
DIS_WEIGHT = 100.0


def setup_inputs(seed: int = 0) -> dict:
    key = jax.random.key(seed)
    ks = jax.random.split(key, 6)
    inp = jax.random.normal(ks[0], (B, C), dtype=jnp.float32)
    target = jax.random.uniform(ks[1], (B, C), dtype=jnp.float32)
    impl_l = jax.random.randint(ks[2], (N_IMPL,), 0, C, dtype=jnp.int32)
    impl_r = jax.random.randint(ks[3], (N_IMPL,), 0, C, dtype=jnp.int32)
    dis_l = jax.random.randint(ks[4], (N_DIS,), 0, C, dtype=jnp.int32)
    dis_r = jax.random.randint(ks[5], (N_DIS,), 0, C, dtype=jnp.int32)
    return {"input": inp, "target": target, "impl_l": impl_l, "impl_r": impl_r, "dis_l": dis_l, "dis_r": dis_r}


def _bce_with_logits_mean(x, t):
    # numerically-stable BCEWithLogitsLoss with mean reduction
    return jnp.mean(jnp.maximum(x, 0.0) - x * t + jnp.log1p(jnp.exp(-jnp.abs(x))))


def _calculate_implication_loss(l, r):
    # tnorm='product', pos_scalar=1, multiply_by_softmax=False
    one_min_r = 1.0 - r
    individual_loss = l * one_min_r
    return jnp.mean(jnp.sum(individual_loss, axis=-1), axis=0)


def reference(input, target, impl_l, impl_r, dis_l, dis_r):
    # base loss (BCEWithLogits, mean)
    base_loss = _bce_with_logits_mean(input, target)
    pred = jax.nn.sigmoid(input)
    # implication loss: gather columns by pair indices
    l_i = jnp.take(pred, impl_l, axis=1)
    r_i = jnp.take(pred, impl_r, axis=1)
    implication_loss = _calculate_implication_loss(l_i, r_i)
    loss = base_loss + IMPL_WEIGHT * implication_loss
    # disjointness loss: note r is passed as (1 - r)
    l_d = jnp.take(pred, dis_l, axis=1)
    r_d = jnp.take(pred, dis_r, axis=1)
    disjointness_loss = _calculate_implication_loss(l_d, 1.0 - r_d)
    total = loss + DIS_WEIGHT * disjointness_loss
    return (total, base_loss, implication_loss, disjointness_loss)

if __name__ == "__main__":
    import jax
    _d = setup_inputs()
    print(jax.jit(kernel)(*tuple(_d.values())))

</pallas_src>

<mosaic_0001>
#map = affine_map<(d0, d1) -> (0)>
#map1 = affine_map<(d0, d1) -> (0, 0, 0)>
module attributes {stable_mosaic.version = 14 : i64} {
  func.func @_sc_pair_sums_body(%arg0: i32, %arg1: i32, %arg2: memref<2250000xf32, #tpu.memory_space<hbm>>, %arg3: memref<1500xf32, #tpu.memory_space<hbm>>, %arg4: memref<12288xi32, #tpu.memory_space<hbm>>, %arg5: memref<12288xi32, #tpu.memory_space<hbm>>, %arg6: memref<4096xi32, #tpu.memory_space<hbm>>, %arg7: memref<4096xi32, #tpu.memory_space<hbm>>, %arg8: memref<32x3x16xf32, #tpu.memory_space<hbm>>, %arg9: memref<384xi32, #tpu.memory_space<vmem>>, %arg10: memref<384xi32, #tpu.memory_space<vmem>>, %arg11: memref<128xi32, #tpu.memory_space<vmem>>, %arg12: memref<128xi32, #tpu.memory_space<vmem>>, %arg13: memref<3x128xi32, #tpu.memory_space<vmem>>, %arg14: memref<3x128xi32, #tpu.memory_space<vmem>>, %arg15: memref<128xi32, #tpu.memory_space<vmem>>, %arg16: memref<384xf32, #tpu.memory_space<vmem>>, %arg17: memref<384xf32, #tpu.memory_space<vmem>>, %arg18: memref<128xf32, #tpu.memory_space<vmem>>, %arg19: memref<3x16xf32, #tpu.memory_space<vmem>>, %arg20: memref<!tpu.dma_semaphore, #tpu.memory_space<semaphore_mem>>) attributes {dimension_semantics = [#tpu.dimension_semantics<core_parallel>, #tpu.dimension_semantics<subcore_parallel>], iteration_bounds = array<i64: 2, 16>, scalar_prefetch = 0 : i64, scratch_operands = 12 : i64, tpu.core_type = #tpu.core_type<sc_vector_subcore>, window_params = [{transform_indices = #map}, {transform_indices = #map}, {transform_indices = #map}, {transform_indices = #map}, {transform_indices = #map}, {transform_indices = #map}, {transform_indices = #map1}]} {
    %mul3A = arith.constant 2 : i32
    %mul3A_0 = arith.muli %arg1, %mul3A : i32
    %add3A = arith.addi %mul3A_0, %arg0 : i32
    %mul3A_1 = arith.constant 384 : i32
    %mul3A_2 = arith.muli %add3A, %mul3A_1 : i32
    %mul3A_3 = arith.constant 128 : i32
    %mul3A_4 = arith.muli %add3A, %mul3A_3 : i32
    "tpu.region"() ({
      %run_scoped3A = tpu.sem_alloc : memref<!tpu.dma_semaphore, #tpu.memory_space<semaphore_mem>>
      %dma_start3A_1377 = tpu.memref_slice %arg4[%mul3A_2] : memref<12288xi32, #tpu.memory_space<hbm>> -> memref<384xi32, #tpu.memory_space<hbm>>
      %dma_start3A_1378 = tpu.memref_slice %arg4[%mul3A_2] : memref<12288xi32, #tpu.memory_space<hbm>> -> memref<384xi32, #tpu.memory_space<hbm>>
      tpu.enqueue_dma source(%dma_start3A_1378 : memref<384xi32, #tpu.memory_space<hbm>>) target(%arg9 : memref<384xi32, #tpu.memory_space<vmem>>) target_semaphore(%run_scoped3A : memref<!tpu.dma_semaphore, #tpu.memory_space<semaphore_mem>>)
      %dma_wait3A_1379 = tpu.memref_slice %arg4[%mul3A_2] : memref<12288xi32, #tpu.memory_space<hbm>> -> memref<384xi32, #tpu.memory_space<hbm>>
      %dma_wait3A_1380 = tpu.memref_slice %arg4[%mul3A_2] : memref<12288xi32, #tpu.memory_space<hbm>> -> memref<384xi32, #tpu.memory_space<hbm>>
      tpu.wait_dma2 semaphore(%run_scoped3A : memref<!tpu.dma_semaphore, #tpu.memory_space<semaphore_mem>>) src(%dma_wait3A_1380 : memref<384xi32, #tpu.memory_space<hbm>>) dst(%arg9 : memref<384xi32, #tpu.memory_space<vmem>>)
      tpu.yield
    }) : () -> ()
    "tpu.region"() ({
      %run_scoped3A = tpu.sem_alloc : memref<!tpu.dma_semaphore, #tpu.memory_space<semaphore_mem>>
      %dma_start3A_1377 = tpu.memref_slice %arg5[%mul3A_2] : memref<12288xi32, #tpu.memory_space<hbm>> -> memref<384xi32, #tpu.memory_space<hbm>>
      %dma_start3A_1378 = tpu.memref_slice %arg5[%mul3A_2] : memref<12288xi32, #tpu.memory_space<hbm>> -> memref<384xi32, #tpu.memory_space<hbm>>
      tpu.enqueue_dma source(%dma_start3A_1378 : memref<384xi32, #tpu.memory_space<hbm>>) target(%arg10 : memref<384xi32, #tpu.memory_space<vmem>>) target_semaphore(%run_scoped3A : memref<!tpu.dma_semaphore, #tpu.memory_space<semaphore_mem>>)
      %dma_wait3A_1379 = tpu.memref_slice %arg5[%mul3A_2] : memref<12288xi32, #tpu.memory_space<hbm>> -> memref<384xi32, #tpu.memory_space<hbm>>
      %dma_wait3A_1380 = tpu.memref_slice %arg5[%mul3A_2] : memref<12288xi32, #tpu.memory_space<hbm>> -> memref<384xi32, #tpu.memory_space<hbm>>
      tpu.wait_dma2 semaphore(%run_scoped3A : memref<!tpu.dma_semaphore, #tpu.memory_space<semaphore_mem>>) src(%dma_wait3A_1380 : memref<384xi32, #tpu.memory_space<hbm>>) dst(%arg10 : memref<384xi32, #tpu.memory_space<vmem>>)
      tpu.yield
    }) : () -> ()
    "tpu.region"() ({
      %run_scoped3A = tpu.sem_alloc : memref<!tpu.dma_semaphore, #tpu.memory_space<semaphore_mem>>
      %dma_start3A_1377 = tpu.memref_slice %arg6[%mul3A_4] : memref<4096xi32, #tpu.memory_space<hbm>> -> memref<128xi32, #tpu.memory_space<hbm>>
      %dma_start3A_1378 = tpu.memref_slice %arg6[%mul3A_4] : memref<4096xi32, #tpu.memory_space<hbm>> -> memref<128xi32, #tpu.memory_space<hbm>>
      tpu.enqueue_dma source(%dma_start3A_1378 : memref<128xi32, #tpu.memory_space<hbm>>) target(%arg11 : memref<128xi32, #tpu.memory_space<vmem>>) target_semaphore(%run_scoped3A : memref<!tpu.dma_semaphore, #tpu.memory_space<semaphore_mem>>)
      %dma_wait3A_1379 = tpu.memref_slice %arg6[%mul3A_4] : memref<4096xi32, #tpu.memory_space<hbm>> -> memref<128xi32, #tpu.memory_space<hbm>>
      %dma_wait3A_1380 = tpu.memref_slice %arg6[%mul3A_4] : memref<4096xi32, #tpu.memory_space<hbm>> -> memref<128xi32, #tpu.memory_space<hbm>>
      tpu.wait_dma2 semaphore(%run_scoped3A : memref<!tpu.dma_semaphore, #tpu.memory_space<semaphore_mem>>) src(%dma_wait3A_1380 : memref<128xi32, #tpu.memory_space<hbm>>) dst(%arg11 : memref<128xi32, #tpu.memory_space<vmem>>)
      tpu.yield
    }) : () -> ()
    "tpu.region"() ({
      %run_scoped3A = tpu.sem_alloc : memref<!tpu.dma_semaphore, #tpu.memory_space<semaphore_mem>>
      %dma_start3A_1377 = tpu.memref_slice %arg7[%mul3A_4] : memref<4096xi32, #tpu.memory_space<hbm>> -> memref<128xi32, #tpu.memory_space<hbm>>
      %dma_start3A_1378 = tpu.memref_slice %arg7[%mul3A_4] : memref<4096xi32, #tpu.memory_space<hbm>> -> memref<128xi32, #tpu.memory_space<hbm>>
      tpu.enqueue_dma source(%dma_start3A_1378 : memref<128xi32, #tpu.memory_space<hbm>>) target(%arg12 : memref<128xi32, #tpu.memory_space<vmem>>) target_semaphore(%run_scoped3A : memref<!tpu.dma_semaphore, #tpu.memory_space<semaphore_mem>>)
      %dma_wait3A_1379 = tpu.memref_slice %arg7[%mul3A_4] : memref<4096xi32, #tpu.memory_space<hbm>> -> memref<128xi32, #tpu.memory_space<hbm>>
      %dma_wait3A_1380 = tpu.memref_slice %arg7[%mul3A_4] : memref<4096xi32, #tpu.memory_space<hbm>> -> memref<128xi32, #tpu.memory_space<hbm>>
      tpu.wait_dma2 semaphore(%run_scoped3A : memref<!tpu.dma_semaphore, #tpu.memory_space<semaphore_mem>>) src(%dma_wait3A_1380 : memref<128xi32, #tpu.memory_space<hbm>>) dst(%arg12 : memref<128xi32, #tpu.memory_space<vmem>>)
      tpu.yield
    }) : () -> ()
    %get3A = arith.constant 0 : index
    %get3A_5 = tpu.vector_load %arg9[%get3A] {strides = array<i32>} : memref<384xi32, #tpu.memory_space<vmem>>, vector<16xi32>,
    %get3A_6 = vector.shape_cast %get3A_5 : vector<16xi32> to vector<16xi32>
    %get3A_7 = arith.constant 0 : index
    %get3A_8 = tpu.vector_load %arg10[%get3A_7] {strides = array<i32>} : memref<384xi32, #tpu.memory_space<vmem>>, vector<16xi32>,
    %get3A_9 = vector.shape_cast %get3A_8 : vector<16xi32> to vector<16xi32>
    %mul3A_10 = arith.constant 1500 : i32
    %mul3A_11 = vector.broadcast %mul3A_10 : i32 to vector<16xi32>
    %mul3A_12 = arith.muli %get3A_6, %mul3A_11 : vector<16xi32>
    %add3A_13 = arith.addi %mul3A_12, %get3A_9 : vector<16xi32>
    %swap3A = arith.constant 0 : i32
    %swap3A_14 = arith.index_cast %swap3A : i32 to index
    %swap3A_15 = arith.constant 0 : index
    %swap3A_16 = tpu.vector_load %arg13[%swap3A_14, %swap3A_15] {strides = array<i32>} : memref<3x128xi32, #tpu.memory_space<vmem>>, vector<1x16xi32>,
    %swap3A_17 = vector.shape_cast %swap3A_16 : vector<1x16xi32> to vector<16xi32>
    %swap3A_18 = vector.shape_cast %add3A_13 : vector<16xi32> to vector<1x16xi32>
    tpu.vector_store %arg13[%swap3A_14, %swap3A_15], %swap3A_18 {strides = array<i32>} : memref<3x128xi32, #tpu.memory_space<vmem>>, vector<1x16xi32>,
    %swap3A_19 = arith.constant 0 : i32
    %swap3A_20 = arith.index_cast %swap3A_19 : i32 to index
    %swap3A_21 = arith.constant 0 : index
    %swap3A_22 = tpu.vector_load %arg14[%swap3A_20, %swap3A_21] {strides = array<i32>} : memref<3x128xi32, #tpu.memory_space<vmem>>, vector<1x16xi32>,
    %swap3A_23 = vector.shape_cast %swap3A_22 : vector<1x16xi32> to vector<16xi32>
    %swap3A_24 = vector.shape_cast %get3A_6 : vector<16xi32> to vector<1x16xi32>
    tpu.vector_store %arg14[%swap3A_20, %swap3A_21], %swap3A_24 {strides = array<i32>} : memref<3x128xi32, #tpu.memory_space<vmem>>, vector<1x16xi32>,
    %get3A_25 = arith.constant 16 : index
    %get3A_26 = tpu.vector_load %arg9[%get3A_25] {strides = array<i32>} : memref<384xi32, #tpu.memory_space<vmem>>, vector<16xi32>,
    %get3A_27 = vector.shape_cast %get3A_26 : vector<16xi32> to vector<16xi32>
    %get3A_28 = arith.constant 16 : index
    %get3A_29 = tpu.vector_load %arg10[%get3A_28] {strides = array<i32>} : memref<384xi32, #tpu.memory_space<vmem>>, vector<16xi32>,
    %get3A_30 = vector.shape_cast %get3A_29 : vector<16xi32> to vector<16xi32>
    %mul3A_31 = arith.constant 1500 : i32
    %mul3A_32 = vector.broadcast %mul3A_31 : i32 to vector<16xi32>
    %mul3A_33 = arith.muli %get3A_27, %mul3A_32 : vector<16xi32>
    %add3A_34 = arith.addi %mul3A_33, %get3A_30 : vector<16xi32>
    %swap3A_35 = arith.constant 0 : i32
    %swap3A_36 = arith.index_cast %swap3A_35 : i32 to index
    %swap3A_37 = arith.constant 16 : index
    %swap3A_38 = tpu.vector_load %arg13[%swap3A_36, %swap3A_37] {strides = array<i32>} : memref<3x128xi32, #tpu.memory_space<vmem>>, vector<1x16xi32>,
    %swap3A_39 = vector.shape_cast %swap3A_38 : vector<1x16xi32> to vector<16xi32>
    %swap3A_40 = vector.shape_cast %add3A_34 : vector<16xi32> to vector<1x16xi32>
    tpu.vector_store %arg13[%swap3A_36, %swap3A_37], %swap3A_40 {strides = array<i32>} : memref<3x128xi32, #tpu.memory_space<vmem>>, vector<1x16xi32>,
    %swap3A_41 = arith.constant 0 : i32
    %swap3A_42 = arith.index_cast %swap3A_41 : i32 to index
    %swap3A_43 = arith.constant 16 : index
    %swap3A_44 = tpu.vector_load %arg14[%swap3A_42, %swap3A_43] {strides = array<i32>} : memref<3x128xi32, #tpu.memory_space<vmem>>, vector<1x16xi32>,
    %swap3A_45 = vector.shape_cast %swap3A_44 : vector<1x16xi32> to vector<16xi32>
    %swap3A_46 = vector.shape_cast %get3A_27 : vector<16xi32> to vector<1x16xi32>
    tpu.vector_store %arg14[%swap3A_42, %swap3A_43], %swap3A_46 {strides = array<i32>} : memref<3x128xi32, #tpu.memory_space<vmem>>, vector<1x16xi32>,
    %get3A_47 = arith.constant 32 : index
    %get3A_48 = tpu.vector_load %arg9[%get3A_47] {strides = array<i32>} : memref<384xi32, #tpu.memory_space<vmem>>, vector<16xi32>,
    %get3A_49 = vector.shape_cast %get3A_48 : vector<16xi32> to vector<16xi32>
    %get3A_50 = arith.constant 32 : index
    %get3A_51 = tpu.vector_load %arg10[%get3A_50] {strides = array<i32>} : memref<384xi32, #tpu.memory_space<vmem>>, vector<16xi32>,
    %get3A_52 = vector.shape_cast %get3A_51 : vector<16xi32> to vector<16xi32>
    %mul3A_53 = arith.constant 1500 : i32
    %mul3A_54 = vector.broadcast %mul3A_53 : i32 to vector<16xi32>
    %mul3A_55 = arith.muli %get3A_49, %mul3A_54 : vector<16xi32>
    %add3A_56 = arith.addi %mul3A_55, %get3A_52 : vector<16xi32>
    %swap3A_57 = arith.constant 0 : i32
    %swap3A_58 = arith.index_cast %swap3A_57 : i32 to index
    %swap3A_59 = arith.constant 32 : index
    %swap3A_60 = tpu.vector_load %arg13[%swap3A_58, %swap3A_59] {strides = array<i32>} : memref<3x128xi32, #tpu.memory_space<vmem>>, vector<1x16xi32>,
    %swap3A_61 = vector.shape_cast %swap3A_60 : vector<1x16xi32> to vector<16xi32>
    %swap3A_62 = vector.shape_cast %add3A_56 : vector<16xi32> to vector<1x16xi32>
    tpu.vector_store %arg13[%swap3A_58, %swap3A_59], %swap3A_62 {strides = array<i32>} : memref<3x128xi32, #tpu.memory_space<vmem>>, vector<1x16xi32>,
    %swap3A_63 = arith.constant 0 : i32
    %swap3A_64 = arith.index_cast %swap3A_63 : i32 to index
    %swap3A_65 = arith.constant 32 : index
    %swap3A_66 = tpu.vector_load %arg14[%swap3A_64, %swap3A_65] {strides = array<i32>} : memref<3x128xi32, #tpu.memory_space<vmem>>, vector<1x16xi32>,
    %swap3A_67 = vector.shape_cast %swap3A_66 : vector<1x16xi32> to vector<16xi32>
    %swap3A_68 = vector.shape_cast %get3A_49 : vector<16xi32> to vector<1x16xi32>
    tpu.vector_store %arg14[%swap3A_64, %swap3A_65], %swap3A_68 {strides = array<i32>} : memref<3x128xi32, #tpu.memory_space<vmem>>, vector<1x16xi32>,
    %get3A_69 = arith.constant 48 : index
    %get3A_70 = tpu.vector_load %arg9[%get3A_69] {strides = array<i32>} : memref<384xi32, #tpu.memory_space<vmem>>, vector<16xi32>,
    %get3A_71 = vector.shape_cast %get3A_70 : vector<16xi32> to vector<16xi32>
    %get3A_72 = arith.constant 48 : index
    %get3A_73 = tpu.vector_load %arg10[%get3A_72] {strides = array<i32>} : memref<384xi32, #tpu.memory_space<vmem>>, vector<16xi32>,
    %get3A_74 = vector.shape_cast %get3A_73 : vector<16xi32> to vector<16xi32>
    %mul3A_75 = arith.constant 1500 : i32
    %mul3A_76 = vector.broadcast %mul3A_75 : i32 to vector<16xi32>
    %mul3A_77 = arith.muli %get3A_71, %mul3A_76 : vector<16xi32>
    %add3A_78 = arith.addi %mul3A_77, %get3A_74 : vector<16xi32>
    %swap3A_79 = arith.constant 0 : i32
    %swap3A_80 = arith.index_cast %swap3A_79 : i32 to index
    %swap3A_81 = arith.constant 48 : index
    %swap3A_82 = tpu.vector_load %arg13[%swap3A_80, %swap3A_81] {strides = array<i32>} : memref<3x128xi32, #tpu.memory_space<vmem>>, vector<1x16xi32>,
    %swap3A_83 = vector.shape_cast %swap3A_82 : vector<1x16xi32> to vector<16xi32>
    %swap3A_84 = vector.shape_cast %add3A_78 : vector<16xi32> to vector<1x16xi32>
    tpu.vector_store %arg13[%swap3A_80, %swap3A_81], %swap3A_84 {strides = array<i32>} : memref<3x128xi32, #tpu.memory_space<vmem>>, vector<1x16xi32>,
    %swap3A_85 = arith.constant 0 : i32
    %swap3A_86 = arith.index_cast %swap3A_85 : i32 to index
    %swap3A_87 = arith.constant 48 : index
    %swap3A_88 = tpu.vector_load %arg14[%swap3A_86, %swap3A_87] {strides = array<i32>} : memref<3x128xi32, #tpu.memory_space<vmem>>, vector<1x16xi32>,
    %swap3A_89 = vector.shape_cast %swap3A_88 : vector<1x16xi32> to vector<16xi32>
    %swap3A_90 = vector.shape_cast %get3A_71 : vector<16xi32> to vector<1x16xi32>
    tpu.vector_store %arg14[%swap3A_86, %swap3A_87], %swap3A_90 {strides = array<i32>} : memref<3x128xi32, #tpu.memory_space<vmem>>, vector<1x16xi32>,
    %get3A_91 = arith.constant 64 : index
    %get3A_92 = tpu.vector_load %arg9[%get3A_91] {strides = array<i32>} : memref<384xi32, #tpu.memory_space<vmem>>, vector<16xi32>,
    %get3A_93 = vector.shape_cast %get3A_92 : vector<16xi32> to vector<16xi32>
    %get3A_94 = arith.constant 64 : index
    %get3A_95 = tpu.vector_load %arg10[%get3A_94] {strides = array<i32>} : memref<384xi32, #tpu.memory_space<vmem>>, vector<16xi32>,
    %get3A_96 = vector.shape_cast %get3A_95 : vector<16xi32> to vector<16xi32>
    %mul3A_97 = arith.constant 1500 : i32
    %mul3A_98 = vector.broadcast %mul3A_97 : i32 to vector<16xi32>
    %mul3A_99 = arith.muli %get3A_93, %mul3A_98 : vector<16xi32>
    %add3A_100 = arith.addi %mul3A_99, %get3A_96 : vector<16xi32>
    %swap3A_101 = arith.constant 0 : i32
    %swap3A_102 = arith.index_cast %swap3A_101 : i32 to index
    %swap3A_103 = arith.constant 64 : index
    %swap3A_104 = tpu.vector_load %arg13[%swap3A_102, %swap3A_103] {strides = array<i32>} : memref<3x128xi32, #tpu.memory_space<vmem>>, vector<1x16xi32>,
    %swap3A_105 = vector.shape_cast %swap3A_104 : vector<1x16xi32> to vector<16xi32>
    %swap3A_106 = vector.shape_cast %add3A_100 : vector<16xi32> to vector<1x16xi32>
    tpu.vector_store %arg13[%swap3A_102, %swap3A_103], %swap3A_106 {strides = array<i32>} : memref<3x128xi32, #tpu.memory_space<vmem>>, vector<1x16xi32>,
    %swap3A_107 = arith.constant 0 : i32
    %swap3A_108 = arith.index_cast %swap3A_107 : i32 to index
    %swap3A_109 = arith.constant 64 : index
    %swap3A_110 = tpu.vector_load %arg14[%swap3A_108, %swap3A_109] {strides = array<i32>} : memref<3x128xi32, #tpu.memory_space<vmem>>, vector<1x16xi32>,
    %swap3A_111 = vector.shape_cast %swap3A_110 : vector<1x16xi32> to vector<16xi32>
    %swap3A_112 = vector.shape_cast %get3A_93 : vector<16xi32> to vector<1x16xi32>
    tpu.vector_store %arg14[%swap3A_108, %swap3A_109], %swap3A_112 {strides = array<i32>} : memref<3x128xi32, #tpu.memory_space<vmem>>, vector<1x16xi32>,
    %get3A_113 = arith.constant 80 : index
    %get3A_114 = tpu.vector_load %arg9[%get3A_113] {strides = array<i32>} : memref<384xi32, #tpu.memory_space<vmem>>, vector<16xi32>,
    %get3A_115 = vector.shape_cast %get3A_114 : vector<16xi32> to vector<16xi32>
    %get3A_116 = arith.constant 80 : index
    %get3A_117 = tpu.vector_load %arg10[%get3A_116] {strides = array<i32>} : memref<384xi32, #tpu.memory_space<vmem>>, vector<16xi32>,
    %get3A_118 = vector.shape_cast %get3A_117 : vector<16xi32> to vector<16xi32>
    %mul3A_119 = arith.constant 1500 : i32
    %mul3A_120 = vector.broadcast %mul3A_119 : i32 to vector<16xi32>
    %mul3A_121 = arith.muli %get3A_115, %mul3A_120 : vector<16xi32>
    %add3A_122 = arith.addi %mul3A_121, %get3A_118 : vector<16xi32>
    %swap3A_123 = arith.constant 0 : i32
    %swap3A_124 = arith.index_cast %swap3A_123 : i32 to index
    %swap3A_125 = arith.constant 80 : index
    %swap3A_126 = tpu.vector_load %arg13[%swap3A_124, %swap3A_125] {strides = array<i32>} : memref<3x128xi32, #tpu.memory_space<vmem>>, vector<1x16xi32>,
    %swap3A_127 = vector.shape_cast %swap3A_126 : vector<1x16xi32> to vector<16xi32>
    %swap3A_128 = vector.shape_cast %add3A_122 : vector<16xi32> to vector<1x16xi32>
    tpu.vector_store %arg13[%swap3A_124, %swap3A_125], %swap3A_128 {strides = array<i32>} : memref<3x128xi32, #tpu.memory_space<vmem>>, vector<1x16xi32>,
    %swap3A_129 = arith.constant 0 : i32
    %swap3A_130 = arith.index_cast %swap3A_129 : i32 to index
    %swap3A_131 = arith.constant 80 : index
    %swap3A_132 = tpu.vector_load %arg14[%swap3A_130, %swap3A_131] {strides = array<i32>} : memref<3x128xi32, #tpu.memory_space<vmem>>, vector<1x16xi32>,
    %swap3A_133 = vector.shape_cast %swap3A_132 : vector<1x16xi32> to vector<16xi32>
    %swap3A_134 = vector.shape_cast %get3A_115 : vector<16xi32> to vector<1x16xi32>
    tpu.vector_store %arg14[%swap3A_130, %swap3A_131], %swap3A_134 {strides = array<i32>} : memref<3x128xi32, #tpu.memory_space<vmem>>, vector<1x16xi32>,
    %get3A_135 = arith.constant 96 : index
    %get3A_136 = tpu.vector_load %arg9[%get3A_135] {strides = array<i32>} : memref<384xi32, #tpu.memory_space<vmem>>, vector<16xi32>,
    %get3A_137 = vector.shape_cast %get3A_136 : vector<16xi32> to vector<16xi32>
    %get3A_138 = arith.constant 96 : index
    %get3A_139 = tpu.vector_load %arg10[%get3A_138] {strides = array<i32>} : memref<384xi32, #tpu.memory_space<vmem>>, vector<16xi32>,
    %get3A_140 = vector.shape_cast %get3A_139 : vector<16xi32> to vector<16xi32>
    %mul3A_141 = arith.constant 1500 : i32
    %mul3A_142 = vector.broadcast %mul3A_141 : i32 to vector<16xi32>
    %mul3A_143 = arith.muli %get3A_137, %mul3A_142 : vector<16xi32>
    %add3A_144 = arith.addi %mul3A_143, %get3A_140 : vector<16xi32>
    %swap3A_145 = arith.constant 0 : i32
    %swap3A_146 = arith.index_cast %swap3A_145 : i32 to index
    %swap3A_147 = arith.constant 96 : index
    %swap3A_148 = tpu.vector_load %arg13[%swap3A_146, %swap3A_147] {strides = array<i32>} : memref<3x128xi32, #tpu.memory_space<vmem>>, vector<1x16xi32>,
    %swap3A_149 = vector.shape_cast %swap3A_148 : vector<1x16xi32> to vector<16xi32>
    %swap3A_150 = vector.shape_cast %add3A_144 : vector<16xi32> to vector<1x16xi32>
    tpu.vector_store %arg13[%swap3A_146, %swap3A_147], %swap3A_150 {strides = array<i32>} : memref<3x128xi32, #tpu.memory_space<vmem>>, vector<1x16xi32>,
    %swap3A_151 = arith.constant 0 : i32
    %swap3A_152 = arith.index_cast %swap3A_151 : i32 to index
    %swap3A_153 = arith.constant 96 : index
    %swap3A_154 = tpu.vector_load %arg14[%swap3A_152, %swap3A_153] {strides = array<i32>} : memref<3x128xi32, #tpu.memory_space<vmem>>, vector<1x16xi32>,
    %swap3A_155 = vector.shape_cast %swap3A_154 : vector<1x16xi32> to vector<16xi32>
    %swap3A_156 = vector.shape_cast %get3A_137 : vector<16xi32> to vector<1x16xi32>
    tpu.vector_store %arg14[%swap3A_152, %swap3A_153], %swap3A_156 {strides = array<i32>} : memref<3x128xi32, #tpu.memory_space<vmem>>, vector<1x16xi32>,
    %get3A_157 = arith.constant 112 : index
    %get3A_158 = tpu.vector_load %arg9[%get3A_157] {strides = array<i32>} : memref<384xi32, #tpu.memory_space<vmem>>, vector<16xi32>,
    %get3A_159 = vector.shape_cast %get3A_158 : vector<16xi32> to vector<16xi32>
    %get3A_160 = arith.constant 112 : index
    %get3A_161 = tpu.vector_load %arg10[%get3A_160] {strides = array<i32>} : memref<384xi32, #tpu.memory_space<vmem>>, vector<16xi32>,
    %get3A_162 = vector.shape_cast %get3A_161 : vector<16xi32> to vector<16xi32>
    %mul3A_163 = arith.constant 1500 : i32
    %mul3A_164 = vector.broadcast %mul3A_163 : i32 to vector<16xi32>
    %mul3A_165 = arith.muli %get3A_159, %mul3A_164 : vector<16xi32>
    %add3A_166 = arith.addi %mul3A_165, %get3A_162 : vector<16xi32>
    %swap3A_167 = arith.constant 0 : i32
    %swap3A_168 = arith.index_cast %swap3A_167 : i32 to index
    %swap3A_169 = arith.constant 112 : index
    %swap3A_170 = tpu.vector_load %arg13[%swap3A_168, %swap3A_169] {strides = array<i32>} : memref<3x128xi32, #tpu.memory_space<vmem>>, vector<1x16xi32>,
    %swap3A_171 = vector.shape_cast %swap3A_170 : vector<1x16xi32> to vector<16xi32>
    %swap3A_172 = vector.shape_cast %add3A_166 : vector<16xi32> to vector<1x16xi32>
    tpu.vector_store %arg13[%swap3A_168, %swap3A_169], %swap3A_172 {strides = array<i32>} : memref<3x128xi32, #tpu.memory_space<vmem>>, vector<1x16xi32>,
    %swap3A_173 = arith.constant 0 : i32
    %swap3A_174 = arith.index_cast %swap3A_173 : i32 to index
    %swap3A_175 = arith.constant 112 : index
    %swap3A_176 = tpu.vector_load %arg14[%swap3A_174, %swap3A_175] {strides = array<i32>} : memref<3x128xi32, #tpu.memory_space<vmem>>, vector<1x16xi32>,
    %swap3A_177 = vector.shape_cast %swap3A_176 : vector<1x16xi32> to vector<16xi32>
    %swap3A_178 = vector.shape_cast %get3A_159 : vector<16xi32> to vector<1x16xi32>
    tpu.vector_store %arg14[%swap3A_174, %swap3A_175], %swap3A_178 {strides = array<i32>} : memref<3x128xi32, #tpu.memory_space<vmem>>, vector<1x16xi32>,
    %get3A_179 = arith.constant 128 : index
    %get3A_180 = tpu.vector_load %arg9[%get3A_179] {strides = array<i32>} : memref<384xi32, #tpu.memory_space<vmem>>, vector<16xi32>,
    %get3A_181 = vector.shape_cast %get3A_180 : vector<16xi32> to vector<16xi32>
    %get3A_182 = arith.constant 128 : index
    %get3A_183 = tpu.vector_load %arg10[%get3A_182] {strides = array<i32>} : memref<384xi32, #tpu.memory_space<vmem>>, vector<16xi32>,
    %get3A_184 = vector.shape_cast %get3A_183 : vector<16xi32> to vector<16xi32>
    %mul3A_185 = arith.constant 1500 : i32
    %mul3A_186 = vector.broadcast %mul3A_185 : i32 to vector<16xi32>
    %mul3A_187 = arith.muli %get3A_181, %mul3A_186 : vector<16xi32>
    %add3A_188 = arith.addi %mul3A_187, %get3A_184 : vector<16xi32>
    %swap3A_189 = arith.constant 1 : i32
    %swap3A_190 = arith.index_cast %swap3A_189 : i32 to index
    %swap3A_191 = arith.constant 0 : index
    %swap3A_192 = tpu.vector_load %arg13[%swap3A_190, %swap3A_191] {strides = array<i32>} : memref<3x128xi32, #tpu.memory_space<vmem>>, vector<1x16xi32>,
    %swap3A_193 = vector.shape_cast %swap3A_192 : vector<1x16xi32> to vector<16xi32>
    %swap3A_194 = vector.shape_cast %add3A_188 : vector<16xi32> to vector<1x16xi32>
    tpu.vector_store %arg13[%swap3A_190, %swap3A_191], %swap3A_194 {strides = array<i32>} : memref<3x128xi32, #tpu.memory_space<vmem>>, vector<1x16xi32>,
    %swap3A_195 = arith.constant 1 : i32
    %swap3A_196 = arith.index_cast %swap3A_195 : i32 to index
    %swap3A_197 = arith.constant 0 : index
    %swap3A_198 = tpu.vector_load %arg14[%swap3A_196, %swap3A_197] {strides = array<i32>} : memref<3x128xi32, #tpu.memory_space<vmem>>, vector<1x16xi32>,
    %swap3A_199 = vector.shape_cast %swap3A_198 : vector<1x16xi32> to vector<16xi32>
    %swap3A_200 = vector.shape_cast %get3A_181 : vector<16xi32> to vector<1x16xi32>
    tpu.vector_store %arg14[%swap3A_196, %swap3A_197], %swap3A_200 {strides = array<i32>} : memref<3x128xi32, #tpu.memory_space<vmem>>, vector<1x16xi32>,
    %get3A_201 = arith.constant 144 : index
    %get3A_202 = tpu.vector_load %arg9[%get3A_201] {strides = array<i32>} : memref<384xi32, #tpu.memory_space<vmem>>, vector<16xi32>,
    %get3A_203 = vector.shape_cast %get3A_202 : vector<16xi32> to vector<16xi32>
    %get3A_204 = arith.constant 144 : index
    %get3A_205 = tpu.vector_load %arg10[%get3A_204] {strides = array<i32>} : memref<384xi32, #tpu.memory_space<vmem>>, vector<16xi32>,
    %get3A_206 = vector.shape_cast %get3A_205 : vector<16xi32> to vector<16xi32>
    %mul3A_207 = arith.constant 1500 : i32
    %mul3A_208 = vector.broadcast %mul3A_207 : i32 to vector<16xi32>
    %mul3A_209 = arith.muli %get3A_203, %mul3A_208 : vector<16xi32>
    %add3A_210 = arith.addi %mul3A_209, %get3A_206 : vector<16xi32>
    %swap3A_211 = arith.constant 1 : i32
    %swap3A_212 = arith.index_cast %swap3A_211 : i32 to index
    %swap3A_213 = arith.constant 16 : index
    %swap3A_214 = tpu.vector_load %arg13[%swap3A_212, %swap3A_213] {strides = array<i32>} : memref<3x128xi32, #tpu.memory_space<vmem>>, vector<1x16xi32>,
    %swap3A_215 = vector.shape_cast %swap3A_214 : vector<1x16xi32> to vector<16xi32>
    %swap3A_216 = vector.shape_cast %add3A_210 : vector<16xi32> to vector<1x16xi32>
    tpu.vector_store %arg13[%swap3A_212, %swap3A_213], %swap3A_216 {strides = array<i32>} : memref<3x128xi32, #tpu.memory_space<vmem>>, vector<1x16xi32>,
    %swap3A_217 = arith.constant 1 : i32
    %swap3A_218 = arith.index_cast %swap3A_217 : i32 to index
    %swap3A_219 = arith.constant 16 : index
    %swap3A_220 = tpu.vector_load %arg14[%swap3A_218, %swap3A_219] {strides = array<i32>} : memref<3x128xi32, #tpu.memory_space<vmem>>, vector<1x16xi32>,
    %swap3A_221 = vector.shape_cast %swap3A_220 : vector<1x16xi32> to vector<16xi32>
    %swap3A_222 = vector.shape_cast %get3A_203 : vector<16xi32> to vector<1x16xi32>
    tpu.vector_store %arg14[%swap3A_218, %swap3A_219], %swap3A_222 {strides = array<i32>} : memref<3x128xi32, #tpu.memory_space<vmem>>, vector<1x16xi32>,
    %get3A_223 = arith.constant 160 : index
    %get3A_224 = tpu.vector_load %arg9[%get3A_223] {strides = array<i32>} : memref<384xi32, #tpu.memory_space<vmem>>, vector<16xi32>,
    %get3A_225 = vector.shape_cast %get3A_224 : vector<16xi32> to vector<16xi32>
    %get3A_226 = arith.constant 160 : index
    %get3A_227 = tpu.vector_load %arg10[%get3A_226] {strides = array<i32>} : memref<384xi32, #tpu.memory_space<vmem>>, vector<16xi32>,
    %get3A_228 = vector.shape_cast %get3A_227 : vector<16xi32> to vector<16xi32>
    %mul3A_229 = arith.constant 1500 : i32
    %mul3A_230 = vector.broadcast %mul3A_229 : i32 to vector<16xi32>
    %mul3A_231 = arith.muli %get3A_225, %mul3A_230 : vector<16xi32>
    %add3A_232 = arith.addi %mul3A_231, %get3A_228 : vector<16xi32>
    %swap3A_233 = arith.constant 1 : i32
    %swap3A_234 = arith.index_cast %swap3A_233 : i32 to index
    %swap3A_235 = arith.constant 32 : index
    %swap3A_236 = tpu.vector_load %arg13[%swap3A_234, %swap3A_235] {strides = array<i32>} : memref<3x128xi32, #tpu.memory_space<vmem>>, vector<1x16xi32>,
    %swap3A_237 = vector.shape_cast %swap3A_236 : vector<1x16xi32> to vector<16xi32>
    %swap3A_238 = vector.shape_cast %add3A_232 : vector<16xi32> to vector<1x16xi32>
    tpu.vector_store %arg13[%swap3A_234, %swap3A_235], %swap3A_238 {strides = array<i32>} : memref<3x128xi32, #tpu.memory_space<vmem>>, vector<1x16xi32>,
    %swap3A_239 = arith.constant 1 : i32
    %swap3A_240 = arith.index_cast %swap3A_239 : i32 to index
    %swap3A_241 = arith.constant 32 : index
    %swap3A_242 = tpu.vector_load %arg14[%swap3A_240, %swap3A_241] {strides = array<i32>} : memref<3x128xi32, #tpu.memory_space<vmem>>, vector<1x16xi32>,
    %swap3A_243 = vector.shape_cast %swap3A_242 : vector<1x16xi32> to vector<16xi32>
    %swap3A_244 = vector.shape_cast %get3A_225 : vector<16xi32> to vector<1x16xi32>
    tpu.vector_store %arg14[%swap3A_240, %swap3A_241], %swap3A_244 {strides = array<i32>} : memref<3x128xi32, #tpu.memory_space<vmem>>, vector<1x16xi32>,
    %get3A_245 = arith.constant 176 : index
    %get3A_246 = tpu.vector_load %arg9[%get3A_245] {strides = array<i32>} : memref<384xi32, #tpu.memory_space<vmem>>, vector<16xi32>,
    %get3A_247 = vector.shape_cast %get3A_246 : vector<16xi32> to vector<16xi32>
    %get3A_248 = arith.constant 176 : index
    %get3A_249 = tpu.vector_load %arg10[%get3A_248] {strides = array<i32>} : memref<384xi32, #tpu.memory_space<vmem>>, vector<16xi32>,
    %get3A_250 = vector.shape_cast %get3A_249 : vector<16xi32> to vector<16xi32>
    %mul3A_251 = arith.constant 1500 : i32
    %mul3A_252 = vector.broadcast %mul3A_251 : i32 to vector<16xi32>
    %mul3A_253 = arith.muli %get3A_247, %mul3A_252 : vector<16xi32>
    %add3A_254 = arith.addi %mul3A_253, %get3A_250 : vector<16xi32>
    %swap3A_255 = arith.constant 1 : i32
    %swap3A_256 = arith.index_cast %swap3A_255 : i32 to index
    %swap3A_257 = arith.constant 48 : index
    %swap3A_258 = tpu.vector_load %arg13[%swap3A_256, %swap3A_257] {strides = array<i32>} : memref<3x128xi32, #tpu.memory_space<vmem>>, vector<1x16xi32>,
    %swap3A_259 = vector.shape_cast %swap3A_258 : vector<1x16xi32> to vector<16xi32>
    %swap3A_260 = vector.shape_cast %add3A_254 : vector<16xi32> to vector<1x16xi32>
    tpu.vector_store %arg13[%swap3A_256, %swap3A_257], %swap3A_260 {strides = array<i32>} : memref<3x128xi32, #tpu.memory_space<vmem>>, vector<1x16xi32>,
    %swap3A_261 = arith.constant 1 : i32
    %swap3A_262 = arith.index_cast %swap3A_261 : i32 to index
    %swap3A_263 = arith.constant 48 : index
    %swap3A_264 = tpu.vector_load %arg14[%swap3A_262, %swap3A_263] {strides = array<i32>} : memref<3x128xi32, #tpu.memory_space<vmem>>, vector<1x16xi32>,
    %swap3A_265 = vector.shape_cast %swap3A_264 : vector<1x16xi32> to vector<16xi32>
    %swap3A_266 = vector.shape_cast %get3A_247 : vector<16xi32> to vector<1x16xi32>
    tpu.vector_store %arg14[%swap3A_262, %swap3A_263], %swap3A_266 {strides = array<i32>} : memref<3x128xi32, #tpu.memory_space<vmem>>, vector<1x16xi32>,
    %get3A_267 = arith.constant 192 : index
    %get3A_268 = tpu.vector_load %arg9[%get3A_267] {strides = array<i32>} : memref<384xi32, #tpu.memory_space<vmem>>, vector<16xi32>,
    %get3A_269 = vector.shape_cast %get3A_268 : vector<16xi32> to vector<16xi32>
    %get3A_270 = arith.constant 192 : index
    %get3A_271 = tpu.vector_load %arg10[%get3A_270] {strides = array<i32>} : memref<384xi32, #tpu.memory_space<vmem>>, vector<16xi32>,
    %get3A_272 = vector.shape_cast %get3A_271 : vector<16xi32> to vector<16xi32>
    %mul3A_273 = arith.constant 1500 : i32
    %mul3A_274 = vector.broadcast %mul3A_273 : i32 to vector<16xi32>
    %mul3A_275 = arith.muli %get3A_269, %mul3A_274 : vector<16xi32>
    %add3A_276 = arith.addi %mul3A_275, %get3A_272 : vector<16xi32>
    %swap3A_277 = arith.constant 1 : i32
    %swap3A_278 = arith.index_cast %swap3A_277 : i32 to index
    %swap3A_279 = arith.constant 64 : index
    %swap3A_280 = tpu.vector_load %arg13[%swap3A_278, %swap3A_279] {strides = array<i32>} : memref<3x128xi32, #tpu.memory_space<vmem>>, vector<1x16xi32>,
    %swap3A_281 = vector.shape_cast %swap3A_280 : vector<1x16xi32> to vector<16xi32>
    %swap3A_282 = vector.shape_cast %add3A_276 : vector<16xi32> to vector<1x16xi32>
    tpu.vector_store %arg13[%swap3A_278, %swap3A_279], %swap3A_282 {strides = array<i32>} : memref<3x128xi32, #tpu.memory_space<vmem>>, vector<1x16xi32>,
    %swap3A_283 = arith.constant 1 : i32
    %swap3A_284 = arith.index_cast %swap3A_283 : i32 to index
    %swap3A_285 = arith.constant 64 : index
    %swap3A_286 = tpu.vector_load %arg14[%swap3A_284, %swap3A_285] {strides = array<i32>} : memref<3x128xi32, #tpu.memory_space<vmem>>, vector<1x16xi32>,
    %swap3A_287 = vector.shape_cast %swap3A_286 : vector<1x16xi32> to vector<16xi32>
    %swap3A_288 = vector.shape_cast %get3A_269 : vector<16xi32> to vector<1x16xi32>
    tpu.vector_store %arg14[%swap3A_284, %swap3A_285], %swap3A_288 {strides = array<i32>} : memref<3x128xi32, #tpu.memory_space<vmem>>, vector<1x16xi32>,
    %get3A_289 = arith.constant 208 : index
    %get3A_290 = tpu.vector_load %arg9[%get3A_289] {strides = array<i32>} : memref<384xi32, #tpu.memory_space<vmem>>, vector<16xi32>,
    %get3A_291 = vector.shape_cast %get3A_290 : vector<16xi32> to vector<16xi32>
    %get3A_292 = arith.constant 208 : index
    %get3A_293 = tpu.vector_load %arg10[%get3A_292] {strides = array<i32>} : memref<384xi32, #tpu.memory_space<vmem>>, vector<16xi32>,
    %get3A_294 = vector.shape_cast %get3A_293 : vector<16xi32> to vector<16xi32>
    %mul3A_295 = arith.constant 1500 : i32
    %mul3A_296 = vector.broadcast %mul3A_295 : i32 to vector<16xi32>
    %mul3A_297 = arith.muli %get3A_291, %mul3A_296 : vector<16xi32>
    %add3A_298 = arith.addi %mul3A_297, %get3A_294 : vector<16xi32>
    %swap3A_299 = arith.constant 1 : i32
    %swap3A_300 = arith.index_cast %swap3A_299 : i32 to index
    %swap3A_301 = arith.constant 80 : index
    %swap3A_302 = tpu.vector_load %arg13[%swap3A_300, %swap3A_301] {strides = array<i32>} : memref<3x128xi32, #tpu.memory_space<vmem>>, vector<1x16xi32>,
    %swap3A_303 = vector.shape_cast %swap3A_302 : vector<1x16xi32> to vector<16xi32>
    %swap3A_304 = vector.shape_cast %add3A_298 : vector<16xi32> to vector<1x16xi32>
    tpu.vector_store %arg13[%swap3A_300, %swap3A_301], %swap3A_304 {strides = array<i32>} : memref<3x128xi32, #tpu.memory_space<vmem>>, vector<1x16xi32>,
    %swap3A_305 = arith.constant 1 : i32
    %swap3A_306 = arith.index_cast %swap3A_305 : i32 to index
    %swap3A_307 = arith.constant 80 : index
    %swap3A_308 = tpu.vector_load %arg14[%swap3A_306, %swap3A_307] {strides = array<i32>} : memref<3x128xi32, #tpu.memory_space<vmem>>, vector<1x16xi32>,
    %swap3A_309 = vector.shape_cast %swap3A_308 : vector<1x16xi32> to vector<16xi32>
    %swap3A_310 = vector.shape_cast %get3A_291 : vector<16xi32> to vector<1x16xi32>
    tpu.vector_store %arg14[%swap3A_306, %swap3A_307], %swap3A_310 {strides = array<i32>} : memref<3x128xi32, #tpu.memory_space<vmem>>, vector<1x16xi32>,
    %get3A_311 = arith.constant 224 : index
    %get3A_312 = tpu.vector_load %arg9[%get3A_311] {strides = array<i32>} : memref<384xi32, #tpu.memory_space<vmem>>, vector<16xi32>,
    %get3A_313 = vector.shape_cast %get3A_312 : vector<16xi32> to vector<16xi32>
    %get3A_314 = arith.constant 224 : index
    %get3A_315 = tpu.vector_load %arg10[%get3A_314] {strides = array<i32>} : memref<384xi32, #tpu.memory_space<vmem>>, vector<16xi32>,
    %get3A_316 = vector.shape_cast %get3A_315 : vector<16xi32> to vector<16xi32>
    %mul3A_317 = arith.constant 1500 : i32
    %mul3A_318 = vector.broadcast %mul3A_317 : i32 to vector<16xi32>
    %mul3A_319 = arith.muli %get3A_313, %mul3A_318 : vector<16xi32>
    %add3A_320 = arith.addi %mul3A_319, %get3A_316 : vector<16xi32>
    %swap3A_321 = arith.constant 1 : i32
    %swap3A_322 = arith.index_cast %swap3A_321 : i32 to index
    %swap3A_323 = arith.constant 96 : index
    %swap3A_324 = tpu.vector_load %arg13[%swap3A_322, %swap3A_323] {strides = array<i32>} : memref<3x128xi32, #tpu.memory_space<vmem>>, vector<1x16xi32>,
    %swap3A_325 = vector.shape_cast %swap3A_324 : vector<1x16xi32> to vector<16xi32>
    %swap3A_326 = vector.shape_cast %add3A_320 : vector<16xi32> to vector<1x16xi32>
    tpu.vector_store %arg13[%swap3A_322, %swap3A_323], %swap3A_326 {strides = array<i32>} : memref<3x128xi32, #tpu.memory_space<vmem>>, vector<1x16xi32>,
    %swap3A_327 = arith.constant 1 : i32
    %swap3A_328 = arith.index_cast %swap3A_327 : i32 to index
    %swap3A_329 = arith.constant 96 : index
    %swap3A_330 = tpu.vector_load %arg14[%swap3A_328, %swap3A_329] {strides = array<i32>} : memref<3x128xi32, #tpu.memory_space<vmem>>, vector<1x16xi32>,
    %swap3A_331 = vector.shape_cast %swap3A_330 : vector<1x16xi32> to vector<16xi32>
    %swap3A_332 = vector.shape_cast %get3A_313 : vector<16xi32> to vector<1x16xi32>
    tpu.vector_store %arg14[%swap3A_328, %swap3A_329], %swap3A_332 {strides = array<i32>} : memref<3x128xi32, #tpu.memory_space<vmem>>, vector<1x16xi32>,
    %get3A_333 = arith.constant 240 : index
    %get3A_334 = tpu.vector_load %arg9[%get3A_333] {strides = array<i32>} : memref<384xi32, #tpu.memory_space<vmem>>, vector<16xi32>,
    %get3A_335 = vector.shape_cast %get3A_334 : vector<16xi32> to vector<16xi32>
    %get3A_336 = arith.constant 240 : index
    %get3A_337 = tpu.vector_load %arg10[%get3A_336] {strides = array<i32>} : memref<384xi32, #tpu.memory_space<vmem>>, vector<16xi32>,
    %get3A_338 = vector.shape_cast %get3A_337 : vector<16xi32> to vector<16xi32>
    %mul3A_339 = arith.constant 1500 : i32
    %mul3A_340 = vector.broadcast %mul3A_339 : i32 to vector<16xi32>
    %mul3A_341 = arith.muli %get3A_335, %mul3A_340 : vector<16xi32>
    %add3A_342 = arith.addi %mul3A_341, %get3A_338 : vector<16xi32>
    %swap3A_343 = arith.constant 1 : i32
    %swap3A_344 = arith.index_cast %swap3A_343 : i32 to index
    %swap3A_345 = arith.constant 112 : index
    %swap3A_346 = tpu.vector_load %arg13[%swap3A_344, %swap3A_345] {strides = array<i32>} : memref<3x128xi32, #tpu.memory_space<vmem>>, vector<1x16xi32>,
    %swap3A_347 = vector.shape_cast %swap3A_346 : vector<1x16xi32> to vector<16xi32>
    %swap3A_348 = vector.shape_cast %add3A_342 : vector<16xi32> to vector<1x16xi32>
    tpu.vector_store %arg13[%swap3A_344, %swap3A_345], %swap3A_348 {strides = array<i32>} : memref<3x128xi32, #tpu.memory_space<vmem>>, vector<1x16xi32>,
    %swap3A_349 = arith.constant 1 : i32
    %swap3A_350 = arith.index_cast %swap3A_349 : i32 to index
    %swap3A_351 = arith.constant 112 : index
    %swap3A_352 = tpu.vector_load %arg14[%swap3A_350, %swap3A_351] {strides = array<i32>} : memref<3x128xi32, #tpu.memory_space<vmem>>, vector<1x16xi32>,
    %swap3A_353 = vector.shape_cast %swap3A_352 : vector<1x16xi32> to vector<16xi32>
    %swap3A_354 = vector.shape_cast %get3A_335 : vector<16xi32> to vector<1x16xi32>
    tpu.vector_store %arg14[%swap3A_350, %swap3A_351], %swap3A_354 {strides = array<i32>} : memref<3x128xi32, #tpu.memory_space<vmem>>, vector<1x16xi32>,
    %get3A_355 = arith.constant 256 : index
    %get3A_356 = tpu.vector_load %arg9[%get3A_355] {strides = array<i32>} : memref<384xi32, #tpu.memory_space<vmem>>, vector<16xi32>,
    %get3A_357 = vector.shape_cast %get3A_356 : vector<16xi32> to vector<16xi32>
    %get3A_358 = arith.constant 256 : index
    %get3A_359 = tpu.vector_load %arg10[%get3A_358] {strides = array<i32>} : memref<384xi32, #tpu.memory_space<vmem>>, vector<16xi32>,
    %get3A_360 = vector.shape_cast %get3A_359 : vector<16xi32> to vector<16xi32>
    %mul3A_361 = arith.constant 1500 : i32
    %mul3A_362 = vector.broadcast %mul3A_361 : i32 to vector<16xi32>
    %mul3A_363 = arith.muli %get3A_357, %mul3A_362 : vector<16xi32>
    %add3A_364 = arith.addi %mul3A_363, %get3A_360 : vector<16xi32>
    %swap3A_365 = arith.constant 2 : i32
    %swap3A_366 = arith.index_cast %swap3A_365 : i32 to index
    %swap3A_367 = arith.constant 0 : index
    %swap3A_368 = tpu.vector_load %arg13[%swap3A_366, %swap3A_367] {strides = array<i32>} : memref<3x128xi32, #tpu.memory_space<vmem>>, vector<1x16xi32>,
    %swap3A_369 = vector.shape_cast %swap3A_368 : vector<1x16xi32> to vector<16xi32>
    %swap3A_370 = vector.shape_cast %add3A_364 : vector<16xi32> to vector<1x16xi32>
    tpu.vector_store %arg13[%swap3A_366, %swap3A_367], %swap3A_370 {strides = array<i32>} : memref<3x128xi32, #tpu.memory_space<vmem>>, vector<1x16xi32>,
    %swap3A_371 = arith.constant 2 : i32
    %swap3A_372 = arith.index_cast %swap3A_371 : i32 to index
    %swap3A_373 = arith.constant 0 : index
    %swap3A_374 = tpu.vector_load %arg14[%swap3A_372, %swap3A_373] {strides = array<i32>} : memref<3x128xi32, #tpu.memory_space<vmem>>, vector<1x16xi32>,
    %swap3A_375 = vector.shape_cast %swap3A_374 : vector<1x16xi32> to vector<16xi32>
    %swap3A_376 = vector.shape_cast %get3A_357 : vector<16xi32> to vector<1x16xi32>
    tpu.vector_store %arg14[%swap3A_372, %swap3A_373], %swap3A_376 {strides = array<i32>} : memref<3x128xi32, #tpu.memory_space<vmem>>, vector<1x16xi32>,
    %get3A_377 = arith.constant 272 : index
    %get3A_378 = tpu.vector_load %arg9[%get3A_377] {strides = array<i32>} : memref<384xi32, #tpu.memory_space<vmem>>, vector<16xi32>,
    %get3A_379 = vector.shape_cast %get3A_378 : vector<16xi32> to vector<16xi32>
    %get3A_380 = arith.constant 272 : index
    %get3A_381 = tpu.vector_load %arg10[%get3A_380] {strides = array<i32>} : memref<384xi32, #tpu.memory_space<vmem>>, vector<16xi32>,
    %get3A_382 = vector.shape_cast %get3A_381 : vector<16xi32> to vector<16xi32>
    %mul3A_383 = arith.constant 1500 : i32
    %mul3A_384 = vector.broadcast %mul3A_383 : i32 to vector<16xi32>
    %mul3A_385 = arith.muli %get3A_379, %mul3A_384 : vector<16xi32>
    %add3A_386 = arith.addi %mul3A_385, %get3A_382 : vector<16xi32>
    %swap3A_387 = arith.constant 2 : i32
    %swap3A_388 = arith.index_cast %swap3A_387 : i32 to index
    %swap3A_389 = arith.constant 16 : index
    %swap3A_390 = tpu.vector_load %arg13[%swap3A_388, %swap3A_389] {strides = array<i32>} : memref<3x128xi32, #tpu.memory_space<vmem>>, vector<1x16xi32>,
    %swap3A_391 = vector.shape_cast %swap3A_390 : vector<1x16xi32> to vector<16xi32>
    %swap3A_392 = vector.shape_cast %add3A_386 : vector<16xi32> to vector<1x16xi32>
    tpu.vector_store %arg13[%swap3A_388, %swap3A_389], %swap3A_392 {strides = array<i32>} : memref<3x128xi32, #tpu.memory_space<vmem>>, vector<1x16xi32>,
    %swap3A_393 = arith.constant 2 : i32
    %swap3A_394 = arith.index_cast %swap3A_393 : i32 to index
    %swap3A_395 = arith.constant 16 : index
    %swap3A_396 = tpu.vector_load %arg14[%swap3A_394, %swap3A_395] {strides = array<i32>} : memref<3x128xi32, #tpu.memory_space<vmem>>, vector<1x16xi32>,
    %swap3A_397 = vector.shape_cast %swap3A_396 : vector<1x16xi32> to vector<16xi32>
    %swap3A_398 = vector.shape_cast %get3A_379 : vector<16xi32> to vector<1x16xi32>
    tpu.vector_store %arg14[%swap3A_394, %swap3A_395], %swap3A_398 {strides = array<i32>} : memref<3x128xi32, #tpu.memory_space<vmem>>, vector<1x16xi32>,
    %get3A_399 = arith.constant 288 : index
    %get3A_400 = tpu.vector_load %arg9[%get3A_399] {strides = array<i32>} : memref<384xi32, #tpu.memory_space<vmem>>, vector<16xi32>,
    %get3A_401 = vector.shape_cast %get3A_400 : vector<16xi32> to vector<16xi32>
    %get3A_402 = arith.constant 288 : index
    %get3A_403 = tpu.vector_load %arg10[%get3A_402] {strides = array<i32>} : memref<384xi32, #tpu.memory_space<vmem>>, vector<16xi32>,
    %get3A_404 = vector.shape_cast %get3A_403 : vector<16xi32> to vector<16xi32>
    %mul3A_405 = arith.constant 1500 : i32
    %mul3A_406 = vector.broadcast %mul3A_405 : i32 to vector<16xi32>
    %mul3A_407 = arith.muli %get3A_401, %mul3A_406 : vector<16xi32>
    %add3A_408 = arith.addi %mul3A_407, %get3A_404 : vector<16xi32>
    %swap3A_409 = arith.constant 2 : i32
    %swap3A_410 = arith.index_cast %swap3A_409 : i32 to index
    %swap3A_411 = arith.constant 32 : index
    %swap3A_412 = tpu.vector_load %arg13[%swap3A_410, %swap3A_411] {strides = array<i32>} : memref<3x128xi32, #tpu.memory_space<vmem>>, vector<1x16xi32>,
    %swap3A_413 = vector.shape_cast %swap3A_412 : vector<1x16xi32> to vector<16xi32>
    %swap3A_414 = vector.shape_cast %add3A_408 : vector<16xi32> to vector<1x16xi32>
    tpu.vector_store %arg13[%swap3A_410, %swap3A_411], %swap3A_414 {strides = array<i32>} : memref<3x128xi32, #tpu.memory_space<vmem>>, vector<1x16xi32>,
    %swap3A_415 = arith.constant 2 : i32
    %swap3A_416 = arith.index_cast %swap3A_415 : i32 to index
    %swap3A_417 = arith.constant 32 : index
    %swap3A_418 = tpu.vector_load %arg14[%swap3A_416, %swap3A_417] {strides = array<i32>} : memref<3x128xi32, #tpu.memory_space<vmem>>, vector<1x16xi32>,
    %swap3A_419 = vector.shape_cast %swap3A_418 : vector<1x16xi32> to vector<16xi32>
    %swap3A_420 = vector.shape_cast %get3A_401 : vector<16xi32> to vector<1x16xi32>
    tpu.vector_store %arg14[%swap3A_416, %swap3A_417], %swap3A_420 {strides = array<i32>} : memref<3x128xi32, #tpu.memory_space<vmem>>, vector<1x16xi32>,
    %get3A_421 = arith.constant 304 : index
    %get3A_422 = tpu.vector_load %arg9[%get3A_421] {strides = array<i32>} : memref<384xi32, #tpu.memory_space<vmem>>, vector<16xi32>,
    %get3A_423 = vector.shape_cast %get3A_422 : vector<16xi32> to vector<16xi32>
    %get3A_424 = arith.constant 304 : index
    %get3A_425 = tpu.vector_load %arg10[%get3A_424] {strides = array<i32>} : memref<384xi32, #tpu.memory_space<vmem>>, vector<16xi32>,
    %get3A_426 = vector.shape_cast %get3A_425 : vector<16xi32> to vector<16xi32>
    %mul3A_427 = arith.constant 1500 : i32
    %mul3A_428 = vector.broadcast %mul3A_427 : i32 to vector<16xi32>
    %mul3A_429 = arith.muli %get3A_423, %mul3A_428 : vector<16xi32>
    %add3A_430 = arith.addi %mul3A_429, %get3A_426 : vector<16xi32>
    %swap3A_431 = arith.constant 2 : i32
    %swap3A_432 = arith.index_cast %swap3A_431 : i32 to index
    %swap3A_433 = arith.constant 48 : index
    %swap3A_434 = tpu.vector_load %arg13[%swap3A_432, %swap3A_433] {strides = array<i32>} : memref<3x128xi32, #tpu.memory_space<vmem>>, vector<1x16xi32>,
    %swap3A_435 = vector.shape_cast %swap3A_434 : vector<1x16xi32> to vector<16xi32>
    %swap3A_436 = vector.shape_cast %add3A_430 : vector<16xi32> to vector<1x16xi32>
    tpu.vector_store %arg13[%swap3A_432, %swap3A_433], %swap3A_436 {strides = array<i32>} : memref<3x128xi32, #tpu.memory_space<vmem>>, vector<1x16xi32>,
    %swap3A_437 = arith.constant 2 : i32
    %swap3A_438 = arith.index_cast %swap3A_437 : i32 to index
    %swap3A_439 = arith.constant 48 : index
    %swap3A_440 = tpu.vector_load %arg14[%swap3A_438, %swap3A_439] {strides = array<i32>} : memref<3x128xi32, #tpu.memory_space<vmem>>, vector<1x16xi32>,
    %swap3A_441 = vector.shape_cast %swap3A_440 : vector<1x16xi32> to vector<16xi32>
    %swap3A_442 = vector.shape_cast %get3A_423 : vector<16xi32> to vector<1x16xi32>
    tpu.vector_store %arg14[%swap3A_438, %swap3A_439], %swap3A_442 {strides = array<i32>} : memref<3x128xi32, #tpu.memory_space<vmem>>, vector<1x16xi32>,
    %get3A_443 = arith.constant 320 : index
    %get3A_444 = tpu.vector_load %arg9[%get3A_443] {strides = array<i32>} : memref<384xi32, #tpu.memory_space<vmem>>, vector<16xi32>,
    %get3A_445 = vector.shape_cast %get3A_444 : vector<16xi32> to vector<16xi32>
    %get3A_446 = arith.constant 320 : index
    %get3A_447 = tpu.vector_load %arg10[%get3A_446] {strides = array<i32>} : memref<384xi32, #tpu.memory_space<vmem>>, vector<16xi32>,
    %get3A_448 = vector.shape_cast %get3A_447 : vector<16xi32> to vector<16xi32>
    %mul3A_449 = arith.constant 1500 : i32
    %mul3A_450 = vector.broadcast %mul3A_449 : i32 to vector<16xi32>
    %mul3A_451 = arith.muli %get3A_445, %mul3A_450 : vector<16xi32>
    %add3A_452 = arith.addi %mul3A_451, %get3A_448 : vector<16xi32>
    %swap3A_453 = arith.constant 2 : i32
    %swap3A_454 = arith.index_cast %swap3A_453 : i32 to index
    %swap3A_455 = arith.constant 64 : index
    %swap3A_456 = tpu.vector_load %arg13[%swap3A_454, %swap3A_455] {strides = array<i32>} : memref<3x128xi32, #tpu.memory_space<vmem>>, vector<1x16xi32>,
    %swap3A_457 = vector.shape_cast %swap3A_456 : vector<1x16xi32> to vector<16xi32>
    %swap3A_458 = vector.shape_cast %add3A_452 : vector<16xi32> to vector<1x16xi32>
    tpu.vector_store %arg13[%swap3A_454, %swap3A_455], %swap3A_458 {strides = array<i32>} : memref<3x128xi32, #tpu.memory_space<vmem>>, vector<1x16xi32>,
    %swap3A_459 = arith.constant 2 : i32
    %swap3A_460 = arith.index_cast %swap3A_459 : i32 to index
    %swap3A_461 = arith.constant 64 : index
    %swap3A_462 = tpu.vector_load %arg14[%swap3A_460, %swap3A_461] {strides = array<i32>} : memref<3x128xi32, #tpu.memory_space<vmem>>, vector<1x16xi32>,
    %swap3A_463 = vector.shape_cast %swap3A_462 : vector<1x16xi32> to vector<16xi32>
    %swap3A_464 = vector.shape_cast %get3A_445 : vector<16xi32> to vector<1x16xi32>
    tpu.vector_store %arg14[%swap3A_460, %swap3A_461], %swap3A_464 {strides = array<i32>} : memref<3x128xi32, #tpu.memory_space<vmem>>, vector<1x16xi32>,
    %get3A_465 = arith.constant 336 : index
    %get3A_466 = tpu.vector_load %arg9[%get3A_465] {strides = array<i32>} : memref<384xi32, #tpu.memory_space<vmem>>, vector<16xi32>,
    %get3A_467 = vector.shape_cast %get3A_466 : vector<16xi32> to vector<16xi32>
    %get3A_468 = arith.constant 336 : index
    %get3A_469 = tpu.vector_load %arg10[%get3A_468] {strides = array<i32>} : memref<384xi32, #tpu.memory_space<vmem>>, vector<16xi32>,
    %get3A_470 = vector.shape_cast %get3A_469 : vector<16xi32> to vector<16xi32>
    %mul3A_471 = arith.constant 1500 : i32
    %mul3A_472 = vector.broadcast %mul3A_471 : i32 to vector<16xi32>
    %mul3A_473 = arith.muli %get3A_467, %mul3A_472 : vector<16xi32>
    %add3A_474 = arith.addi %mul3A_473, %get3A_470 : vector<16xi32>
    %swap3A_475 = arith.constant 2 : i32
    %swap3A_476 = arith.index_cast %swap3A_475 : i32 to index
    %swap3A_477 = arith.constant 80 : index
    %swap3A_478 = tpu.vector_load %arg13[%swap3A_476, %swap3A_477] {strides = array<i32>} : memref<3x128xi32, #tpu.memory_space<vmem>>, vector<1x16xi32>,
    %swap3A_479 = vector.shape_cast %swap3A_478 : vector<1x16xi32> to vector<16xi32>
    %swap3A_480 = vector.shape_cast %add3A_474 : vector<16xi32> to vector<1x16xi32>
    tpu.vector_store %arg13[%swap3A_476, %swap3A_477], %swap3A_480 {strides = array<i32>} : memref<3x128xi32, #tpu.memory_space<vmem>>, vector<1x16xi32>,
    %swap3A_481 = arith.constant 2 : i32
    %swap3A_482 = arith.index_cast %swap3A_481 : i32 to index
    %swap3A_483 = arith.constant 80 : index
    %swap3A_484 = tpu.vector_load %arg14[%swap3A_482, %swap3A_483] {strides = array<i32>} : memref<3x128xi32, #tpu.memory_space<vmem>>, vector<1x16xi32>,
    %swap3A_485 = vector.shape_cast %swap3A_484 : vector<1x16xi32> to vector<16xi32>
    %swap3A_486 = vector.shape_cast %get3A_467 : vector<16xi32> to vector<1x16xi32>
    tpu.vector_store %arg14[%swap3A_482, %swap3A_483], %swap3A_486 {strides = array<i32>} : memref<3x128xi32, #tpu.memory_space<vmem>>, vector<1x16xi32>,
    %get3A_487 = arith.constant 352 : index
    %get3A_488 = tpu.vector_load %arg9[%get3A_487] {strides = array<i32>} : memref<384xi32, #tpu.memory_space<vmem>>, vector<16xi32>,
    %get3A_489 = vector.shape_cast %get3A_488 : vector<16xi32> to vector<16xi32>
    %get3A_490 = arith.constant 352 : index
    %get3A_491 = tpu.vector_load %arg10[%get3A_490] {strides = array<i32>} : memref<384xi32, #tpu.memory_space<vmem>>, vector<16xi32>,
    %get3A_492 = vector.shape_cast %get3A_491 : vector<16xi32> to vector<16xi32>
    %mul3A_493 = arith.constant 1500 : i32
    %mul3A_494 = vector.broadcast %mul3A_493 : i32 to vector<16xi32>
    %mul3A_495 = arith.muli %get3A_489, %mul3A_494 : vector<16xi32>
    %add3A_496 = arith.addi %mul3A_495, %get3A_492 : vector<16xi32>
    %swap3A_497 = arith.constant 2 : i32
    %swap3A_498 = arith.index_cast %swap3A_497 : i32 to index
    %swap3A_499 = arith.constant 96 : index
    %swap3A_500 = tpu.vector_load %arg13[%swap3A_498, %swap3A_499] {strides = array<i32>} : memref<3x128xi32, #tpu.memory_space<vmem>>, vector<1x16xi32>,
    %swap3A_501 = vector.shape_cast %swap3A_500 : vector<1x16xi32> to vector<16xi32>
    %swap3A_502 = vector.shape_cast %add3A_496 : vector<16xi32> to vector<1x16xi32>
    tpu.vector_store %arg13[%swap3A_498, %swap3A_499], %swap3A_502 {strides = array<i32>} : memref<3x128xi32, #tpu.memory_space<vmem>>, vector<1x16xi32>,
    %swap3A_503 = arith.constant 2 : i32
    %swap3A_504 = arith.index_cast %swap3A_503 : i32 to index
    %swap3A_505 = arith.constant 96 : index
    %swap3A_506 = tpu.vector_load %arg14[%swap3A_504, %swap3A_505] {strides = array<i32>} : memref<3x128xi32, #tpu.memory_space<vmem>>, vector<1x16xi32>,
    %swap3A_507 = vector.shape_cast %swap3A_506 : vector<1x16xi32> to vector<16xi32>
    %swap3A_508 = vector.shape_cast %get3A_489 : vector<16xi32> to vector<1x16xi32>
    tpu.vector_store %arg14[%swap3A_504, %swap3A_505], %swap3A_508 {strides = array<i32>} : memref<3x128xi32, #tpu.memory_space<vmem>>, vector<1x16xi32>,
    %get3A_509 = arith.constant 368 : index
    %get3A_510 = tpu.vector_load %arg9[%get3A_509] {strides = array<i32>} : memref<384xi32, #tpu.memory_space<vmem>>, vector<16xi32>,
    %get3A_511 = vector.shape_cast %get3A_510 : vector<16xi32> to vector<16xi32>
    %get3A_512 = arith.constant 368 : index
    %get3A_513 = tpu.vector_load %arg10[%get3A_512] {strides = array<i32>} : memref<384xi32, #tpu.memory_space<vmem>>, vector<16xi32>,
    %get3A_514 = vector.shape_cast %get3A_513 : vector<16xi32> to vector<16xi32>
    %mul3A_515 = arith.constant 1500 : i32
    %mul3A_516 = vector.broadcast %mul3A_515 : i32 to vector<16xi32>
    %mul3A_517 = arith.muli %get3A_511, %mul3A_516 : vector<16xi32>
    %add3A_518 = arith.addi %mul3A_517, %get3A_514 : vector<16xi32>
    %swap3A_519 = arith.constant 2 : i32
    %swap3A_520 = arith.index_cast %swap3A_519 : i32 to index
    %swap3A_521 = arith.constant 112 : index
    %swap3A_522 = tpu.vector_load %arg13[%swap3A_520, %swap3A_521] {strides = array<i32>} : memref<3x128xi32, #tpu.memory_space<vmem>>, vector<1x16xi32>,
    %swap3A_523 = vector.shape_cast %swap3A_522 : vector<1x16xi32> to vector<16xi32>
    %swap3A_524 = vector.shape_cast %add3A_518 : vector<16xi32> to vector<1x16xi32>
    tpu.vector_store %arg13[%swap3A_520, %swap3A_521], %swap3A_524 {strides = array<i32>} : memref<3x128xi32, #tpu.memory_space<vmem>>, vector<1x16xi32>,
    %swap3A_525 = arith.constant 2 : i32
    %swap3A_526 = arith.index_cast %swap3A_525 : i32 to index
    %swap3A_527 = arith.constant 112 : index
    %swap3A_528 = tpu.vector_load %arg14[%swap3A_526, %swap3A_527] {strides = array<i32>} : memref<3x128xi32, #tpu.memory_space<vmem>>, vector<1x16xi32>,
    %swap3A_529 = vector.shape_cast %swap3A_528 : vector<1x16xi32> to vector<16xi32>
    %swap3A_530 = vector.shape_cast %get3A_511 : vector<16xi32> to vector<1x16xi32>
    tpu.vector_store %arg14[%swap3A_526, %swap3A_527], %swap3A_530 {strides = array<i32>} : memref<3x128xi32, #tpu.memory_space<vmem>>, vector<1x16xi32>,
    %get3A_531 = arith.constant 0 : index
    %get3A_532 = tpu.vector_load %arg11[%get3A_531] {strides = array<i32>} : memref<128xi32, #tpu.memory_space<vmem>>, vector<16xi32>,
    %get3A_533 = vector.shape_cast %get3A_532 : vector<16xi32> to vector<16xi32>
    %get3A_534 = arith.constant 0 : index
    %get3A_535 = tpu.vector_load %arg12[%get3A_534] {strides = array<i32>} : memref<128xi32, #tpu.memory_space<vmem>>, vector<16xi32>,
    %get3A_536 = vector.shape_cast %get3A_535 : vector<16xi32> to vector<16xi32>
    %mul3A_537 = arith.constant 1500 : i32
    %mul3A_538 = vector.broadcast %mul3A_537 : i32 to vector<16xi32>
    %mul3A_539 = arith.muli %get3A_533, %mul3A_538 : vector<16xi32>
    %add3A_540 = arith.addi %mul3A_539, %get3A_536 : vector<16xi32>
    %swap3A_541 = arith.constant 0 : index
    %swap3A_542 = tpu.vector_load %arg15[%swap3A_541] {strides = array<i32>} : memref<128xi32, #tpu.memory_space<vmem>>, vector<16xi32>,
    %swap3A_543 = vector.shape_cast %swap3A_542 : vector<16xi32> to vector<16xi32>
    %swap3A_544 = vector.shape_cast %add3A_540 : vector<16xi32> to vector<16xi32>
    tpu.vector_store %arg15[%swap3A_541], %swap3A_544 {strides = array<i32>} : memref<128xi32, #tpu.memory_space<vmem>>, vector<16xi32>,
    %get3A_545 = arith.constant 16 : index
    %get3A_546 = tpu.vector_load %arg11[%get3A_545] {strides = array<i32>} : memref<128xi32, #tpu.memory_space<vmem>>, vector<16xi32>,
    %get3A_547 = vector.shape_cast %get3A_546 : vector<16xi32> to vector<16xi32>
    %get3A_548 = arith.constant 16 : index
    %get3A_549 = tpu.vector_load %arg12[%get3A_548] {strides = array<i32>} : memref<128xi32, #tpu.memory_space<vmem>>, vector<16xi32>,
    %get3A_550 = vector.shape_cast %get3A_549 : vector<16xi32> to vector<16xi32>
    %mul3A_551 = arith.constant 1500 : i32
    %mul3A_552 = vector.broadcast %mul3A_551 : i32 to vector<16xi32>
    %mul3A_553 = arith.muli %get3A_547, %mul3A_552 : vector<16xi32>
    %add3A_554 = arith.addi %mul3A_553, %get3A_550 : vector<16xi32>
    %swap3A_555 = arith.constant 16 : index
    %swap3A_556 = tpu.vector_load %arg15[%swap3A_555] {strides = array<i32>} : memref<128xi32, #tpu.memory_space<vmem>>, vector<16xi32>,
    %swap3A_557 = vector.shape_cast %swap3A_556 : vector<16xi32> to vector<16xi32>
    %swap3A_558 = vector.shape_cast %add3A_554 : vector<16xi32> to vector<16xi32>
    tpu.vector_store %arg15[%swap3A_555], %swap3A_558 {strides = array<i32>} : memref<128xi32, #tpu.memory_space<vmem>>, vector<16xi32>,
    %get3A_559 = arith.constant 32 : index
    %get3A_560 = tpu.vector_load %arg11[%get3A_559] {strides = array<i32>} : memref<128xi32, #tpu.memory_space<vmem>>, vector<16xi32>,
    %get3A_561 = vector.shape_cast %get3A_560 : vector<16xi32> to vector<16xi32>
    %get3A_562 = arith.constant 32 : index
    %get3A_563 = tpu.vector_load %arg12[%get3A_562] {strides = array<i32>} : memref<128xi32, #tpu.memory_space<vmem>>, vector<16xi32>,
    %get3A_564 = vector.shape_cast %get3A_563 : vector<16xi32> to vector<16xi32>
    %mul3A_565 = arith.constant 1500 : i32
    %mul3A_566 = vector.broadcast %mul3A_565 : i32 to vector<16xi32>
    %mul3A_567 = arith.muli %get3A_561, %mul3A_566 : vector<16xi32>
    %add3A_568 = arith.addi %mul3A_567, %get3A_564 : vector<16xi32>
    %swap3A_569 = arith.constant 32 : index
    %swap3A_570 = tpu.vector_load %arg15[%swap3A_569] {strides = array<i32>} : memref<128xi32, #tpu.memory_space<vmem>>, vector<16xi32>,
    %swap3A_571 = vector.shape_cast %swap3A_570 : vector<16xi32> to vector<16xi32>
    %swap3A_572 = vector.shape_cast %add3A_568 : vector<16xi32> to vector<16xi32>
    tpu.vector_store %arg15[%swap3A_569], %swap3A_572 {strides = array<i32>} : memref<128xi32, #tpu.memory_space<vmem>>, vector<16xi32>,
    %get3A_573 = arith.constant 48 : index
    %get3A_574 = tpu.vector_load %arg11[%get3A_573] {strides = array<i32>} : memref<128xi32, #tpu.memory_space<vmem>>, vector<16xi32>,
    %get3A_575 = vector.shape_cast %get3A_574 : vector<16xi32> to vector<16xi32>
    %get3A_576 = arith.constant 48 : index
    %get3A_577 = tpu.vector_load %arg12[%get3A_576] {strides = array<i32>} : memref<128xi32, #tpu.memory_space<vmem>>, vector<16xi32>,
    %get3A_578 = vector.shape_cast %get3A_577 : vector<16xi32> to vector<16xi32>
    %mul3A_579 = arith.constant 1500 : i32
    %mul3A_580 = vector.broadcast %mul3A_579 : i32 to vector<16xi32>
    %mul3A_581 = arith.muli %get3A_575, %mul3A_580 : vector<16xi32>
    %add3A_582 = arith.addi %mul3A_581, %get3A_578 : vector<16xi32>
    %swap3A_583 = arith.constant 48 : index
    %swap3A_584 = tpu.vector_load %arg15[%swap3A_583] {strides = array<i32>} : memref<128xi32, #tpu.memory_space<vmem>>, vector<16xi32>,
    %swap3A_585 = vector.shape_cast %swap3A_584 : vector<16xi32> to vector<16xi32>
    %swap3A_586 = vector.shape_cast %add3A_582 : vector<16xi32> to vector<16xi32>
    tpu.vector_store %arg15[%swap3A_583], %swap3A_586 {strides = array<i32>} : memref<128xi32, #tpu.memory_space<vmem>>, vector<16xi32>,
    %get3A_587 = arith.constant 64 : index
    %get3A_588 = tpu.vector_load %arg11[%get3A_587] {strides = array<i32>} : memref<128xi32, #tpu.memory_space<vmem>>, vector<16xi32>,
    %get3A_589 = vector.shape_cast %get3A_588 : vector<16xi32> to vector<16xi32>
    %get3A_590 = arith.constant 64 : index
    %get3A_591 = tpu.vector_load %arg12[%get3A_590] {strides = array<i32>} : memref<128xi32, #tpu.memory_space<vmem>>, vector<16xi32>,
    %get3A_592 = vector.shape_cast %get3A_591 : vector<16xi32> to vector<16xi32>
    %mul3A_593 = arith.constant 1500 : i32
    %mul3A_594 = vector.broadcast %mul3A_593 : i32 to vector<16xi32>
    %mul3A_595 = arith.muli %get3A_589, %mul3A_594 : vector<16xi32>
    %add3A_596 = arith.addi %mul3A_595, %get3A_592 : vector<16xi32>
    %swap3A_597 = arith.constant 64 : index
    %swap3A_598 = tpu.vector_load %arg15[%swap3A_597] {strides = array<i32>} : memref<128xi32, #tpu.memory_space<vmem>>, vector<16xi32>,
    %swap3A_599 = vector.shape_cast %swap3A_598 : vector<16xi32> to vector<16xi32>
    %swap3A_600 = vector.shape_cast %add3A_596 : vector<16xi32> to vector<16xi32>
    tpu.vector_store %arg15[%swap3A_597], %swap3A_600 {strides = array<i32>} : memref<128xi32, #tpu.memory_space<vmem>>, vector<16xi32>,
    %get3A_601 = arith.constant 80 : index
    %get3A_602 = tpu.vector_load %arg11[%get3A_601] {strides = array<i32>} : memref<128xi32, #tpu.memory_space<vmem>>, vector<16xi32>,
    %get3A_603 = vector.shape_cast %get3A_602 : vector<16xi32> to vector<16xi32>
    %get3A_604 = arith.constant 80 : index
    %get3A_605 = tpu.vector_load %arg12[%get3A_604] {strides = array<i32>} : memref<128xi32, #tpu.memory_space<vmem>>, vector<16xi32>,
    %get3A_606 = vector.shape_cast %get3A_605 : vector<16xi32> to vector<16xi32>
    %mul3A_607 = arith.constant 1500 : i32
    %mul3A_608 = vector.broadcast %mul3A_607 : i32 to vector<16xi32>
    %mul3A_609 = arith.muli %get3A_603, %mul3A_608 : vector<16xi32>
    %add3A_610 = arith.addi %mul3A_609, %get3A_606 : vector<16xi32>
    %swap3A_611 = arith.constant 80 : index
    %swap3A_612 = tpu.vector_load %arg15[%swap3A_611] {strides = array<i32>} : memref<128xi32, #tpu.memory_space<vmem>>, vector<16xi32>,
    %swap3A_613 = vector.shape_cast %swap3A_612 : vector<16xi32> to vector<16xi32>
    %swap3A_614 = vector.shape_cast %add3A_610 : vector<16xi32> to vector<16xi32>
    tpu.vector_store %arg15[%swap3A_611], %swap3A_614 {strides = array<i32>} : memref<128xi32, #tpu.memory_space<vmem>>, vector<16xi32>,
    %get3A_615 = arith.constant 96 : index
    %get3A_616 = tpu.vector_load %arg11[%get3A_615] {strides = array<i32>} : memref<128xi32, #tpu.memory_space<vmem>>, vector<16xi32>,
    %get3A_617 = vector.shape_cast %get3A_616 : vector<16xi32> to vector<16xi32>
    %get3A_618 = arith.constant 96 : index
    %get3A_619 = tpu.vector_load %arg12[%get3A_618] {strides = array<i32>} : memref<128xi32, #tpu.memory_space<vmem>>, vector<16xi32>,
    %get3A_620 = vector.shape_cast %get3A_619 : vector<16xi32> to vector<16xi32>
    %mul3A_621 = arith.constant 1500 : i32
    %mul3A_622 = vector.broadcast %mul3A_621 : i32 to vector<16xi32>
    %mul3A_623 = arith.muli %get3A_617, %mul3A_622 : vector<16xi32>
    %add3A_624 = arith.addi %mul3A_623, %get3A_620 : vector<16xi32>
    %swap3A_625 = arith.constant 96 : index
    %swap3A_626 = tpu.vector_load %arg15[%swap3A_625] {strides = array<i32>} : memref<128xi32, #tpu.memory_space<vmem>>, vector<16xi32>,
    %swap3A_627 = vector.shape_cast %swap3A_626 : vector<16xi32> to vector<16xi32>
    %swap3A_628 = vector.shape_cast %add3A_624 : vector<16xi32> to vector<16xi32>
    tpu.vector_store %arg15[%swap3A_625], %swap3A_628 {strides = array<i32>} : memref<128xi32, #tpu.memory_space<vmem>>, vector<16xi32>,
    %get3A_629 = arith.constant 112 : index
    %get3A_630 = tpu.vector_load %arg11[%get3A_629] {strides = array<i32>} : memref<128xi32, #tpu.memory_space<vmem>>, vector<16xi32>,
    %get3A_631 = vector.shape_cast %get3A_630 : vector<16xi32> to vector<16xi32>
    %get3A_632 = arith.constant 112 : index
    %get3A_633 = tpu.vector_load %arg12[%get3A_632] {strides = array<i32>} : memref<128xi32, #tpu.memory_space<vmem>>, vector<16xi32>,
    %get3A_634 = vector.shape_cast %get3A_633 : vector<16xi32> to vector<16xi32>
    %mul3A_635 = arith.constant 1500 : i32
    %mul3A_636 = vector.broadcast %mul3A_635 : i32 to vector<16xi32>
    %mul3A_637 = arith.muli %get3A_631, %mul3A_636 : vector<16xi32>
    %add3A_638 = arith.addi %mul3A_637, %get3A_634 : vector<16xi32>
    %swap3A_639 = arith.constant 112 : index
    %swap3A_640 = tpu.vector_load %arg15[%swap3A_639] {strides = array<i32>} : memref<128xi32, #tpu.memory_space<vmem>>, vector<16xi32>,
    %swap3A_641 = vector.shape_cast %swap3A_640 : vector<16xi32> to vector<16xi32>
    %swap3A_642 = vector.shape_cast %add3A_638 : vector<16xi32> to vector<16xi32>
    tpu.vector_store %arg15[%swap3A_639], %swap3A_642 {strides = array<i32>} : memref<128xi32, #tpu.memory_space<vmem>>, vector<16xi32>,
    %dma_start3A = arith.constant 0 : i32
    %dma_start3A_643 = arith.constant 0 : i32
    %dma_start3A_644 = tpu.memref_slice %arg16[%dma_start3A_643] : memref<384xf32, #tpu.memory_space<vmem>> -> memref<128xf32, #tpu.memory_space<vmem>>
    %dma_start3A_645 = arith.constant 0 : i32
    %dma_start3A_646 = tpu.memref_slice %arg13[%dma_start3A, %dma_start3A_645] : memref<3x128xi32, #tpu.memory_space<vmem>> -> memref<1x128xi32, #tpu.memory_space<vmem>>
    %dma_start3A_647 = tpu.memref_squeeze %dma_start3A_646 : memref<1x128xi32, #tpu.memory_space<vmem>> -> memref<128xi32, #tpu.memory_space<vmem>>
    %dma_start3A_648 = arith.constant 0 : i32
    %dma_start3A_649 = tpu.memref_slice %arg2[%dma_start3A_648] : memref<2250000xf32, #tpu.memory_space<hbm>> -> memref<2250000xf32, #tpu.memory_space<hbm>>
    tpu.enqueue_indirect_dma source(%dma_start3A_649 : memref<2250000xf32, #tpu.memory_space<hbm>>) target(%dma_start3A_644 : memref<128xf32, #tpu.memory_space<vmem>>) offsets(%dma_start3A_647 : memref<128xi32, #tpu.memory_space<vmem>>) semaphore(%arg20 : memref<!tpu.dma_semaphore, #tpu.memory_space<semaphore_mem>>)
    %dma_start3A_650 = arith.constant 0 : i32
    %dma_start3A_651 = arith.constant 0 : i32
    %dma_start3A_652 = tpu.memref_slice %arg17[%dma_start3A_651] : memref<384xf32, #tpu.memory_space<vmem>> -> memref<128xf32, #tpu.memory_space<vmem>>
    %dma_start3A_653 = arith.constant 0 : i32
    %dma_start3A_654 = tpu.memref_slice %arg14[%dma_start3A_650, %dma_start3A_653] : memref<3x128xi32, #tpu.memory_space<vmem>> -> memref<1x128xi32, #tpu.memory_space<vmem>>
    %dma_start3A_655 = tpu.memref_squeeze %dma_start3A_654 : memref<1x128xi32, #tpu.memory_space<vmem>> -> memref<128xi32, #tpu.memory_space<vmem>>
    %dma_start3A_656 = arith.constant 0 : i32
    %dma_start3A_657 = tpu.memref_slice %arg3[%dma_start3A_656] : memref<1500xf32, #tpu.memory_space<hbm>> -> memref<1500xf32, #tpu.memory_space<hbm>>
    tpu.enqueue_indirect_dma source(%dma_start3A_657 : memref<1500xf32, #tpu.memory_space<hbm>>) target(%dma_start3A_652 : memref<128xf32, #tpu.memory_space<vmem>>) offsets(%dma_start3A_655 : memref<128xi32, #tpu.memory_space<vmem>>) semaphore(%arg20 : memref<!tpu.dma_semaphore, #tpu.memory_space<semaphore_mem>>)
    %dma_start3A_658 = arith.constant 1 : i32
    %dma_start3A_659 = arith.constant 128 : i32
    %dma_start3A_660 = tpu.memref_slice %arg16[%dma_start3A_659] : memref<384xf32, #tpu.memory_space<vmem>> -> memref<128xf32, #tpu.memory_space<vmem>>
    %dma_start3A_661 = arith.constant 0 : i32
    %dma_start3A_662 = tpu.memref_slice %arg13[%dma_start3A_658, %dma_start3A_661] : memref<3x128xi32, #tpu.memory_space<vmem>> -> memref<1x128xi32, #tpu.memory_space<vmem>>
    %dma_start3A_663 = tpu.memref_squeeze %dma_start3A_662 : memref<1x128xi32, #tpu.memory_space<vmem>> -> memref<128xi32, #tpu.memory_space<vmem>>
    %dma_start3A_664 = arith.constant 0 : i32
    %dma_start3A_665 = tpu.memref_slice %arg2[%dma_start3A_664] : memref<2250000xf32, #tpu.memory_space<hbm>> -> memref<2250000xf32, #tpu.memory_space<hbm>>
    tpu.enqueue_indirect_dma source(%dma_start3A_665 : memref<2250000xf32, #tpu.memory_space<hbm>>) target(%dma_start3A_660 : memref<128xf32, #tpu.memory_space<vmem>>) offsets(%dma_start3A_663 : memref<128xi32, #tpu.memory_space<vmem>>) semaphore(%arg20 : memref<!tpu.dma_semaphore, #tpu.memory_space<semaphore_mem>>)
    %dma_start3A_666 = arith.constant 1 : i32
    %dma_start3A_667 = arith.constant 128 : i32
    %dma_start3A_668 = tpu.memref_slice %arg17[%dma_start3A_667] : memref<384xf32, #tpu.memory_space<vmem>> -> memref<128xf32, #tpu.memory_space<vmem>>
    %dma_start3A_669 = arith.constant 0 : i32
    %dma_start3A_670 = tpu.memref_slice %arg14[%dma_start3A_666, %dma_start3A_669] : memref<3x128xi32, #tpu.memory_space<vmem>> -> memref<1x128xi32, #tpu.memory_space<vmem>>
    %dma_start3A_671 = tpu.memref_squeeze %dma_start3A_670 : memref<1x128xi32, #tpu.memory_space<vmem>> -> memref<128xi32, #tpu.memory_space<vmem>>
    %dma_start3A_672 = arith.constant 0 : i32
    %dma_start3A_673 = tpu.memref_slice %arg3[%dma_start3A_672] : memref<1500xf32, #tpu.memory_space<hbm>> -> memref<1500xf32, #tpu.memory_space<hbm>>
    tpu.enqueue_indirect_dma source(%dma_start3A_673 : memref<1500xf32, #tpu.memory_space<hbm>>) target(%dma_start3A_668 : memref<128xf32, #tpu.memory_space<vmem>>) offsets(%dma_start3A_671 : memref<128xi32, #tpu.memory_space<vmem>>) semaphore(%arg20 : memref<!tpu.dma_semaphore, #tpu.memory_space<semaphore_mem>>)
    %dma_start3A_674 = arith.constant 2 : i32
    %dma_start3A_675 = arith.constant 256 : i32
    %dma_start3A_676 = tpu.memref_slice %arg16[%dma_start3A_675] : memref<384xf32, #tpu.memory_space<vmem>> -> memref<128xf32, #tpu.memory_space<vmem>>
    %dma_start3A_677 = arith.constant 0 : i32
    %dma_start3A_678 = tpu.memref_slice %arg13[%dma_start3A_674, %dma_start3A_677] : memref<3x128xi32, #tpu.memory_space<vmem>> -> memref<1x128xi32, #tpu.memory_space<vmem>>
    %dma_start3A_679 = tpu.memref_squeeze %dma_start3A_678 : memref<1x128xi32, #tpu.memory_space<vmem>> -> memref<128xi32, #tpu.memory_space<vmem>>
    %dma_start3A_680 = arith.constant 0 : i32
    %dma_start3A_681 = tpu.memref_slice %arg2[%dma_start3A_680] : memref<2250000xf32, #tpu.memory_space<hbm>> -> memref<2250000xf32, #tpu.memory_space<hbm>>
    tpu.enqueue_indirect_dma source(%dma_start3A_681 : memref<2250000xf32, #tpu.memory_space<hbm>>) target(%dma_start3A_676 : memref<128xf32, #tpu.memory_space<vmem>>) offsets(%dma_start3A_679 : memref<128xi32, #tpu.memory_space<vmem>>) semaphore(%arg20 : memref<!tpu.dma_semaphore, #tpu.memory_space<semaphore_mem>>)
    %dma_start3A_682 = arith.constant 2 : i32
    %dma_start3A_683 = arith.constant 256 : i32
    %dma_start3A_684 = tpu.memref_slice %arg17[%dma_start3A_683] : memref<384xf32, #tpu.memory_space<vmem>> -> memref<128xf32, #tpu.memory_space<vmem>>
    %dma_start3A_685 = arith.constant 0 : i32
    %dma_start3A_686 = tpu.memref_slice %arg14[%dma_start3A_682, %dma_start3A_685] : memref<3x128xi32, #tpu.memory_space<vmem>> -> memref<1x128xi32, #tpu.memory_space<vmem>>
    %dma_start3A_687 = tpu.memref_squeeze %dma_start3A_686 : memref<1x128xi32, #tpu.memory_space<vmem>> -> memref<128xi32, #tpu.memory_space<vmem>>
    %dma_start3A_688 = arith.constant 0 : i32
    %dma_start3A_689 = tpu.memref_slice %arg3[%dma_start3A_688] : memref<1500xf32, #tpu.memory_space<hbm>> -> memref<1500xf32, #tpu.memory_space<hbm>>
    tpu.enqueue_indirect_dma source(%dma_start3A_689 : memref<1500xf32, #tpu.memory_space<hbm>>) target(%dma_start3A_684 : memref<128xf32, #tpu.memory_space<vmem>>) offsets(%dma_start3A_687 : memref<128xi32, #tpu.memory_space<vmem>>) semaphore(%arg20 : memref<!tpu.dma_semaphore, #tpu.memory_space<semaphore_mem>>)
    %dma_start3A_690 = arith.constant 0 : i32
    %dma_start3A_691 = tpu.memref_slice %arg2[%dma_start3A_690] : memref<2250000xf32, #tpu.memory_space<hbm>> -> memref<2250000xf32, #tpu.memory_space<hbm>>
    tpu.enqueue_indirect_dma source(%dma_start3A_691 : memref<2250000xf32, #tpu.memory_space<hbm>>) target(%arg18 : memref<128xf32, #tpu.memory_space<vmem>>) offsets(%arg15 : memref<128xi32, #tpu.memory_space<vmem>>) semaphore(%arg20 : memref<!tpu.dma_semaphore, #tpu.memory_space<semaphore_mem>>)
    %dma_wait3A = arith.constant 0 : i32
    %dma_wait3A_692 = arith.constant 0 : i32
    %dma_wait3A_693 = tpu.memref_slice %arg16[%dma_wait3A_692] : memref<384xf32, #tpu.memory_space<vmem>> -> memref<128xf32, #tpu.memory_space<vmem>>
    %dma_wait3A_694 = arith.constant 0 : i32
    %dma_wait3A_695 = tpu.memref_slice %arg13[%dma_wait3A, %dma_wait3A_694] : memref<3x128xi32, #tpu.memory_space<vmem>> -> memref<1x128xi32, #tpu.memory_space<vmem>>
    %dma_wait3A_696 = tpu.memref_squeeze %dma_wait3A_695 : memref<1x128xi32, #tpu.memory_space<vmem>> -> memref<128xi32, #tpu.memory_space<vmem>>
    %dma_wait3A_697 = arith.constant 0 : i32
    %dma_wait3A_698 = tpu.memref_slice %arg2[%dma_wait3A_697] : memref<2250000xf32, #tpu.memory_space<hbm>> -> memref<2250000xf32, #tpu.memory_space<hbm>>
    tpu.wait_indirect_dma semaphore(%arg20 : memref<!tpu.dma_semaphore, #tpu.memory_space<semaphore_mem>>) src(%dma_wait3A_698 : memref<2250000xf32, #tpu.memory_space<hbm>>) dst(%dma_wait3A_693 : memref<128xf32, #tpu.memory_space<vmem>>)
    %dma_wait3A_699 = arith.constant 0 : i32
    %dma_wait3A_700 = arith.constant 0 : i32
    %dma_wait3A_701 = tpu.memref_slice %arg17[%dma_wait3A_700] : memref<384xf32, #tpu.memory_space<vmem>> -> memref<128xf32, #tpu.memory_space<vmem>>
    %dma_wait3A_702 = arith.constant 0 : i32
    %dma_wait3A_703 = tpu.memref_slice %arg14[%dma_wait3A_699, %dma_wait3A_702] : memref<3x128xi32, #tpu.memory_space<vmem>> -> memref<1x128xi32, #tpu.memory_space<vmem>>
    %dma_wait3A_704 = tpu.memref_squeeze %dma_wait3A_703 : memref<1x128xi32, #tpu.memory_space<vmem>> -> memref<128xi32, #tpu.memory_space<vmem>>
    %dma_wait3A_705 = arith.constant 0 : i32
    %dma_wait3A_706 = tpu.memref_slice %arg3[%dma_wait3A_705] : memref<1500xf32, #tpu.memory_space<hbm>> -> memref<1500xf32, #tpu.memory_space<hbm>>
    tpu.wait_indirect_dma semaphore(%arg20 : memref<!tpu.dma_semaphore, #tpu.memory_space<semaphore_mem>>) src(%dma_wait3A_706 : memref<1500xf32, #tpu.memory_space<hbm>>) dst(%dma_wait3A_701 : memref<128xf32, #tpu.memory_space<vmem>>)
    %dma_wait3A_707 = arith.constant 1 : i32
    %dma_wait3A_708 = arith.constant 128 : i32
    %dma_wait3A_709 = tpu.memref_slice %arg16[%dma_wait3A_708] : memref<384xf32, #tpu.memory_space<vmem>> -> memref<128xf32, #tpu.memory_space<vmem>>
    %dma_wait3A_710 = arith.constant 0 : i32
    %dma_wait3A_711 = tpu.memref_slice %arg13[%dma_wait3A_707, %dma_wait3A_710] : memref<3x128xi32, #tpu.memory_space<vmem>> -> memref<1x128xi32, #tpu.memory_space<vmem>>
    %dma_wait3A_712 = tpu.memref_squeeze %dma_wait3A_711 : memref<1x128xi32, #tpu.memory_space<vmem>> -> memref<128xi32, #tpu.memory_space<vmem>>
    %dma_wait3A_713 = arith.constant 0 : i32
    %dma_wait3A_714 = tpu.memref_slice %arg2[%dma_wait3A_713] : memref<2250000xf32, #tpu.memory_space<hbm>> -> memref<2250000xf32, #tpu.memory_space<hbm>>
    tpu.wait_indirect_dma semaphore(%arg20 : memref<!tpu.dma_semaphore, #tpu.memory_space<semaphore_mem>>) src(%dma_wait3A_714 : memref<2250000xf32, #tpu.memory_space<hbm>>) dst(%dma_wait3A_709 : memref<128xf32, #tpu.memory_space<vmem>>)
    %dma_wait3A_715 = arith.constant 1 : i32
    %dma_wait3A_716 = arith.constant 128 : i32
    %dma_wait3A_717 = tpu.memref_slice %arg17[%dma_wait3A_716] : memref<384xf32, #tpu.memory_space<vmem>> -> memref<128xf32, #tpu.memory_space<vmem>>
    %dma_wait3A_718 = arith.constant 0 : i32
    %dma_wait3A_719 = tpu.memref_slice %arg14[%dma_wait3A_715, %dma_wait3A_718] : memref<3x128xi32, #tpu.memory_space<vmem>> -> memref<1x128xi32, #tpu.memory_space<vmem>>
    %dma_wait3A_720 = tpu.memref_squeeze %dma_wait3A_719 : memref<1x128xi32, #tpu.memory_space<vmem>> -> memref<128xi32, #tpu.memory_space<vmem>>
    %dma_wait3A_721 = arith.constant 0 : i32
    %dma_wait3A_722 = tpu.memref_slice %arg3[%dma_wait3A_721] : memref<1500xf32, #tpu.memory_space<hbm>> -> memref<1500xf32, #tpu.memory_space<hbm>>
    tpu.wait_indirect_dma semaphore(%arg20 : memref<!tpu.dma_semaphore, #tpu.memory_space<semaphore_mem>>) src(%dma_wait3A_722 : memref<1500xf32, #tpu.memory_space<hbm>>) dst(%dma_wait3A_717 : memref<128xf32, #tpu.memory_space<vmem>>)
    %dma_wait3A_723 = arith.constant 2 : i32
    %dma_wait3A_724 = arith.constant 256 : i32
    %dma_wait3A_725 = tpu.memref_slice %arg16[%dma_wait3A_724] : memref<384xf32, #tpu.memory_space<vmem>> -> memref<128xf32, #tpu.memory_space<vmem>>
    %dma_wait3A_726 = arith.constant 0 : i32
    %dma_wait3A_727 = tpu.memref_slice %arg13[%dma_wait3A_723, %dma_wait3A_726] : memref<3x128xi32, #tpu.memory_space<vmem>> -> memref<1x128xi32, #tpu.memory_space<vmem>>
    %dma_wait3A_728 = tpu.memref_squeeze %dma_wait3A_727 : memref<1x128xi32, #tpu.memory_space<vmem>> -> memref<128xi32, #tpu.memory_space<vmem>>
    %dma_wait3A_729 = arith.constant 0 : i32
    %dma_wait3A_730 = tpu.memref_slice %arg2[%dma_wait3A_729] : memref<2250000xf32, #tpu.memory_space<hbm>> -> memref<2250000xf32, #tpu.memory_space<hbm>>
    tpu.wait_indirect_dma semaphore(%arg20 : memref<!tpu.dma_semaphore, #tpu.memory_space<semaphore_mem>>) src(%dma_wait3A_730 : memref<2250000xf32, #tpu.memory_space<hbm>>) dst(%dma_wait3A_725 : memref<128xf32, #tpu.memory_space<vmem>>)
    %dma_wait3A_731 = arith.constant 2 : i32
    %dma_wait3A_732 = arith.constant 256 : i32
    %dma_wait3A_733 = tpu.memref_slice %arg17[%dma_wait3A_732] : memref<384xf32, #tpu.memory_space<vmem>> -> memref<128xf32, #tpu.memory_space<vmem>>
    %dma_wait3A_734 = arith.constant 0 : i32
    %dma_wait3A_735 = tpu.memref_slice %arg14[%dma_wait3A_731, %dma_wait3A_734] : memref<3x128xi32, #tpu.memory_space<vmem>> -> memref<1x128xi32, #tpu.memory_space<vmem>>
    %dma_wait3A_736 = tpu.memref_squeeze %dma_wait3A_735 : memref<1x128xi32, #tpu.memory_space<vmem>> -> memref<128xi32, #tpu.memory_space<vmem>>
    %dma_wait3A_737 = arith.constant 0 : i32
    %dma_wait3A_738 = tpu.memref_slice %arg3[%dma_wait3A_737] : memref<1500xf32, #tpu.memory_space<hbm>> -> memref<1500xf32, #tpu.memory_space<hbm>>
    tpu.wait_indirect_dma semaphore(%arg20 : memref<!tpu.dma_semaphore, #tpu.memory_space<semaphore_mem>>) src(%dma_wait3A_738 : memref<1500xf32, #tpu.memory_space<hbm>>) dst(%dma_wait3A_733 : memref<128xf32, #tpu.memory_space<vmem>>)
    %dma_wait3A_739 = arith.constant 0 : i32
    %dma_wait3A_740 = tpu.memref_slice %arg2[%dma_wait3A_739] : memref<2250000xf32, #tpu.memory_space<hbm>> -> memref<2250000xf32, #tpu.memory_space<hbm>>
    tpu.wait_indirect_dma semaphore(%arg20 : memref<!tpu.dma_semaphore, #tpu.memory_space<semaphore_mem>>) src(%dma_wait3A_740 : memref<2250000xf32, #tpu.memory_space<hbm>>) dst(%arg18 : memref<128xf32, #tpu.memory_space<vmem>>)
    %broadcast_in_dim3A = arith.constant 0.000000e+00 : f32
    %broadcast_in_dim3A_741 = vector.broadcast %broadcast_in_dim3A : f32 to vector<16xf32>
    %broadcast_in_dim3A_742 = arith.constant 0.000000e+00 : f32
    %broadcast_in_dim3A_743 = vector.broadcast %broadcast_in_dim3A_742 : f32 to vector<16xf32>
    %broadcast_in_dim3A_744 = arith.constant 0.000000e+00 : f32
    %broadcast_in_dim3A_745 = vector.broadcast %broadcast_in_dim3A_744 : f32 to vector<16xf32>
    %iota3A = tpu.iota {dimensions = array<i32: 0>} : vector<16xi32>
    %add3A_746 = arith.constant 0 : i32
    %add3A_747 = arith.addi %mul3A_2, %add3A_746 : i32
    %add3A_748 = vector.broadcast %add3A_747 : i32 to vector<16xi32>
    %add3A_749 = arith.addi %add3A_748, %iota3A : vector<16xi32>
    %lt3A = arith.constant 10000 : i32
    %lt3A_750 = vector.broadcast %lt3A : i32 to vector<16xi32>
    %lt3A_751 = arith.cmpi slt, %add3A_749, %lt3A_750 : vector<16xi32>
    %get3A_752 = arith.constant 0 : index
    %get3A_753 = tpu.vector_load %arg16[%get3A_752] {strides = array<i32>} : memref<384xf32, #tpu.memory_space<vmem>>, vector<16xf32>,
    %get3A_754 = vector.shape_cast %get3A_753 : vector<16xf32> to vector<16xf32>
    %jit3A = arith.constant 0.000000e+00 : f32
    %broadcast_in_dim3A_755 = vector.broadcast %jit3A : f32 to vector<16xf32>
    %select_n3A = arith.select %lt3A_751, %get3A_754, %broadcast_in_dim3A_755 : vector<16xi1>, vector<16xf32>
    %add3A_756 = arith.addf %broadcast_in_dim3A_743, %select_n3A : vector<16xf32>
    %get3A_757 = arith.constant 0 : index
    %get3A_758 = tpu.vector_load %arg17[%get3A_757] {strides = array<i32>} : memref<384xf32, #tpu.memory_space<vmem>>, vector<16xf32>,
    %get3A_759 = vector.shape_cast %get3A_758 : vector<16xf32> to vector<16xf32>
    %jit3A_760 = arith.constant 0.000000e+00 : f32
    %broadcast_in_dim3A_761 = vector.broadcast %jit3A_760 : f32 to vector<16xf32>
    %select_n3A_762 = arith.select %lt3A_751, %get3A_759, %broadcast_in_dim3A_761 : vector<16xi1>, vector<16xf32>
    %add3A_763 = arith.addf %broadcast_in_dim3A_741, %select_n3A_762 : vector<16xf32>
    %add3A_764 = arith.constant 16 : i32
    %add3A_765 = arith.addi %mul3A_2, %add3A_764 : i32
    %add3A_766 = vector.broadcast %add3A_765 : i32 to vector<16xi32>
    %add3A_767 = arith.addi %add3A_766, %iota3A : vector<16xi32>
    %lt3A_768 = arith.constant 10000 : i32
    %lt3A_769 = vector.broadcast %lt3A_768 : i32 to vector<16xi32>
    %lt3A_770 = arith.cmpi slt, %add3A_767, %lt3A_769 : vector<16xi32>
    %get3A_771 = arith.constant 16 : index
    %get3A_772 = tpu.vector_load %arg16[%get3A_771] {strides = array<i32>} : memref<384xf32, #tpu.memory_space<vmem>>, vector<16xf32>,
    %get3A_773 = vector.shape_cast %get3A_772 : vector<16xf32> to vector<16xf32>
    %jit3A_774 = arith.constant 0.000000e+00 : f32
    %broadcast_in_dim3A_775 = vector.broadcast %jit3A_774 : f32 to vector<16xf32>
    %select_n3A_776 = arith.select %lt3A_770, %get3A_773, %broadcast_in_dim3A_775 : vector<16xi1>, vector<16xf32>
    %add3A_777 = arith.addf %add3A_756, %select_n3A_776 : vector<16xf32>
    %get3A_778 = arith.constant 16 : index
    %get3A_779 = tpu.vector_load %arg17[%get3A_778] {strides = array<i32>} : memref<384xf32, #tpu.memory_space<vmem>>, vector<16xf32>,
    %get3A_780 = vector.shape_cast %get3A_779 : vector<16xf32> to vector<16xf32>
    %jit3A_781 = arith.constant 0.000000e+00 : f32
    %broadcast_in_dim3A_782 = vector.broadcast %jit3A_781 : f32 to vector<16xf32>
    %select_n3A_783 = arith.select %lt3A_770, %get3A_780, %broadcast_in_dim3A_782 : vector<16xi1>, vector<16xf32>
    %add3A_784 = arith.addf %add3A_763, %select_n3A_783 : vector<16xf32>
    %add3A_785 = arith.constant 32 : i32
    %add3A_786 = arith.addi %mul3A_2, %add3A_785 : i32
    %add3A_787 = vector.broadcast %add3A_786 : i32 to vector<16xi32>
    %add3A_788 = arith.addi %add3A_787, %iota3A : vector<16xi32>
    %lt3A_789 = arith.constant 10000 : i32
    %lt3A_790 = vector.broadcast %lt3A_789 : i32 to vector<16xi32>
    %lt3A_791 = arith.cmpi slt, %add3A_788, %lt3A_790 : vector<16xi32>
    %get3A_792 = arith.constant 32 : index
    %get3A_793 = tpu.vector_load %arg16[%get3A_792] {strides = array<i32>} : memref<384xf32, #tpu.memory_space<vmem>>, vector<16xf32>,
    %get3A_794 = vector.shape_cast %get3A_793 : vector<16xf32> to vector<16xf32>
    %jit3A_795 = arith.constant 0.000000e+00 : f32
    %broadcast_in_dim3A_796 = vector.broadcast %jit3A_795 : f32 to vector<16xf32>
    %select_n3A_797 = arith.select %lt3A_791, %get3A_794, %broadcast_in_dim3A_796 : vector<16xi1>, vector<16xf32>
    %add3A_798 = arith.addf %add3A_777, %select_n3A_797 : vector<16xf32>
    %get3A_799 = arith.constant 32 : index
    %get3A_800 = tpu.vector_load %arg17[%get3A_799] {strides = array<i32>} : memref<384xf32, #tpu.memory_space<vmem>>, vector<16xf32>,
    %get3A_801 = vector.shape_cast %get3A_800 : vector<16xf32> to vector<16xf32>
    %jit3A_802 = arith.constant 0.000000e+00 : f32
    %broadcast_in_dim3A_803 = vector.broadcast %jit3A_802 : f32 to vector<16xf32>
    %select_n3A_804 = arith.select %lt3A_791, %get3A_801, %broadcast_in_dim3A_803 : vector<16xi1>, vector<16xf32>
    %add3A_805 = arith.addf %add3A_784, %select_n3A_804 : vector<16xf32>
    %add3A_806 = arith.constant 48 : i32
    %add3A_807 = arith.addi %mul3A_2, %add3A_806 : i32
    %add3A_808 = vector.broadcast %add3A_807 : i32 to vector<16xi32>
    %add3A_809 = arith.addi %add3A_808, %iota3A : vector<16xi32>
    %lt3A_810 = arith.constant 10000 : i32
    %lt3A_811 = vector.broadcast %lt3A_810 : i32 to vector<16xi32>
    %lt3A_812 = arith.cmpi slt, %add3A_809, %lt3A_811 : vector<16xi32>
    %get3A_813 = arith.constant 48 : index
    %get3A_814 = tpu.vector_load %arg16[%get3A_813] {strides = array<i32>} : memref<384xf32, #tpu.memory_space<vmem>>, vector<16xf32>,
    %get3A_815 = vector.shape_cast %get3A_814 : vector<16xf32> to vector<16xf32>
    %jit3A_816 = arith.constant 0.000000e+00 : f32
    %broadcast_in_dim3A_817 = vector.broadcast %jit3A_816 : f32 to vector<16xf32>
    %select_n3A_818 = arith.select %lt3A_812, %get3A_815, %broadcast_in_dim3A_817 : vector<16xi1>, vector<16xf32>
    %add3A_819 = arith.addf %add3A_798, %select_n3A_818 : vector<16xf32>
    %get3A_820 = arith.constant 48 : index
    %get3A_821 = tpu.vector_load %arg17[%get3A_820] {strides = array<i32>} : memref<384xf32, #tpu.memory_space<vmem>>, vector<16xf32>,
    %get3A_822 = vector.shape_cast %get3A_821 : vector<16xf32> to vector<16xf32>
    %jit3A_823 = arith.constant 0.000000e+00 : f32
    %broadcast_in_dim3A_824 = vector.broadcast %jit3A_823 : f32 to vector<16xf32>
    %select_n3A_825 = arith.select %lt3A_812, %get3A_822, %broadcast_in_dim3A_824 : vector<16xi1>, vector<16xf32>
    %add3A_826 = arith.addf %add3A_805, %select_n3A_825 : vector<16xf32>
    %add3A_827 = arith.constant 64 : i32
    %add3A_828 = arith.addi %mul3A_2, %add3A_827 : i32
    %add3A_829 = vector.broadcast %add3A_828 : i32 to vector<16xi32>
    %add3A_830 = arith.addi %add3A_829, %iota3A : vector<16xi32>
    %lt3A_831 = arith.constant 10000 : i32
    %lt3A_832 = vector.broadcast %lt3A_831 : i32 to vector<16xi32>
    %lt3A_833 = arith.cmpi slt, %add3A_830, %lt3A_832 : vector<16xi32>
    %get3A_834 = arith.constant 64 : index
    %get3A_835 = tpu.vector_load %arg16[%get3A_834] {strides = array<i32>} : memref<384xf32, #tpu.memory_space<vmem>>, vector<16xf32>,
    %get3A_836 = vector.shape_cast %get3A_835 : vector<16xf32> to vector<16xf32>
    %jit3A_837 = arith.constant 0.000000e+00 : f32
    %broadcast_in_dim3A_838 = vector.broadcast %jit3A_837 : f32 to vector<16xf32>
    %select_n3A_839 = arith.select %lt3A_833, %get3A_836, %broadcast_in_dim3A_838 : vector<16xi1>, vector<16xf32>
    %add3A_840 = arith.addf %add3A_819, %select_n3A_839 : vector<16xf32>
    %get3A_841 = arith.constant 64 : index
    %get3A_842 = tpu.vector_load %arg17[%get3A_841] {strides = array<i32>} : memref<384xf32, #tpu.memory_space<vmem>>, vector<16xf32>,
    %get3A_843 = vector.shape_cast %get3A_842 : vector<16xf32> to vector<16xf32>
    %jit3A_844 = arith.constant 0.000000e+00 : f32
    %broadcast_in_dim3A_845 = vector.broadcast %jit3A_844 : f32 to vector<16xf32>
    %select_n3A_846 = arith.select %lt3A_833, %get3A_843, %broadcast_in_dim3A_845 : vector<16xi1>, vector<16xf32>
    %add3A_847 = arith.addf %add3A_826, %select_n3A_846 : vector<16xf32>
    %add3A_848 = arith.constant 80 : i32
    %add3A_849 = arith.addi %mul3A_2, %add3A_848 : i32
    %add3A_850 = vector.broadcast %add3A_849 : i32 to vector<16xi32>
    %add3A_851 = arith.addi %add3A_850, %iota3A : vector<16xi32>
    %lt3A_852 = arith.constant 10000 : i32
    %lt3A_853 = vector.broadcast %lt3A_852 : i32 to vector<16xi32>
    %lt3A_854 = arith.cmpi slt, %add3A_851, %lt3A_853 : vector<16xi32>
    %get3A_855 = arith.constant 80 : index
    %get3A_856 = tpu.vector_load %arg16[%get3A_855] {strides = array<i32>} : memref<384xf32, #tpu.memory_space<vmem>>, vector<16xf32>,
    %get3A_857 = vector.shape_cast %get3A_856 : vector<16xf32> to vector<16xf32>
    %jit3A_858 = arith.constant 0.000000e+00 : f32
    %broadcast_in_dim3A_859 = vector.broadcast %jit3A_858 : f32 to vector<16xf32>
    %select_n3A_860 = arith.select %lt3A_854, %get3A_857, %broadcast_in_dim3A_859 : vector<16xi1>, vector<16xf32>
    %add3A_861 = arith.addf %add3A_840, %select_n3A_860 : vector<16xf32>
    %get3A_862 = arith.constant 80 : index
    %get3A_863 = tpu.vector_load %arg17[%get3A_862] {strides = array<i32>} : memref<384xf32, #tpu.memory_space<vmem>>, vector<16xf32>,
    %get3A_864 = vector.shape_cast %get3A_863 : vector<16xf32> to vector<16xf32>
    %jit3A_865 = arith.constant 0.000000e+00 : f32
    %broadcast_in_dim3A_866 = vector.broadcast %jit3A_865 : f32 to vector<16xf32>
    %select_n3A_867 = arith.select %lt3A_854, %get3A_864, %broadcast_in_dim3A_866 : vector<16xi1>, vector<16xf32>
    %add3A_868 = arith.addf %add3A_847, %select_n3A_867 : vector<16xf32>
    %add3A_869 = arith.constant 96 : i32
    %add3A_870 = arith.addi %mul3A_2, %add3A_869 : i32
    %add3A_871 = vector.broadcast %add3A_870 : i32 to vector<16xi32>
    %add3A_872 = arith.addi %add3A_871, %iota3A : vector<16xi32>
    %lt3A_873 = arith.constant 10000 : i32
    %lt3A_874 = vector.broadcast %lt3A_873 : i32 to vector<16xi32>
    %lt3A_875 = arith.cmpi slt, %add3A_872, %lt3A_874 : vector<16xi32>
    %get3A_876 = arith.constant 96 : index
    %get3A_877 = tpu.vector_load %arg16[%get3A_876] {strides = array<i32>} : memref<384xf32, #tpu.memory_space<vmem>>, vector<16xf32>,
    %get3A_878 = vector.shape_cast %get3A_877 : vector<16xf32> to vector<16xf32>
    %jit3A_879 = arith.constant 0.000000e+00 : f32
    %broadcast_in_dim3A_880 = vector.broadcast %jit3A_879 : f32 to vector<16xf32>
    %select_n3A_881 = arith.select %lt3A_875, %get3A_878, %broadcast_in_dim3A_880 : vector<16xi1>, vector<16xf32>
    %add3A_882 = arith.addf %add3A_861, %select_n3A_881 : vector<16xf32>
    %get3A_883 = arith.constant 96 : index
    %get3A_884 = tpu.vector_load %arg17[%get3A_883] {strides = array<i32>} : memref<384xf32, #tpu.memory_space<vmem>>, vector<16xf32>,
    %get3A_885 = vector.shape_cast %get3A_884 : vector<16xf32> to vector<16xf32>
    %jit3A_886 = arith.constant 0.000000e+00 : f32
    %broadcast_in_dim3A_887 = vector.broadcast %jit3A_886 : f32 to vector<16xf32>
    %select_n3A_888 = arith.select %lt3A_875, %get3A_885, %broadcast_in_dim3A_887 : vector<16xi1>, vector<16xf32>
    %add3A_889 = arith.addf %add3A_868, %select_n3A_888 : vector<16xf32>
    %add3A_890 = arith.constant 112 : i32
    %add3A_891 = arith.addi %mul3A_2, %add3A_890 : i32
    %add3A_892 = vector.broadcast %add3A_891 : i32 to vector<16xi32>
    %add3A_893 = arith.addi %add3A_892, %iota3A : vector<16xi32>
    %lt3A_894 = arith.constant 10000 : i32
    %lt3A_895 = vector.broadcast %lt3A_894 : i32 to vector<16xi32>
    %lt3A_896 = arith.cmpi slt, %add3A_893, %lt3A_895 : vector<16xi32>
    %get3A_897 = arith.constant 112 : index
    %get3A_898 = tpu.vector_load %arg16[%get3A_897] {strides = array<i32>} : memref<384xf32, #tpu.memory_space<vmem>>, vector<16xf32>,
    %get3A_899 = vector.shape_cast %get3A_898 : vector<16xf32> to vector<16xf32>
    %jit3A_900 = arith.constant 0.000000e+00 : f32
    %broadcast_in_dim3A_901 = vector.broadcast %jit3A_900 : f32 to vector<16xf32>
    %select_n3A_902 = arith.select %lt3A_896, %get3A_899, %broadcast_in_dim3A_901 : vector<16xi1>, vector<16xf32>
    %add3A_903 = arith.addf %add3A_882, %select_n3A_902 : vector<16xf32>
    %get3A_904 = arith.constant 112 : index
    %get3A_905 = tpu.vector_load %arg17[%get3A_904] {strides = array<i32>} : memref<384xf32, #tpu.memory_space<vmem>>, vector<16xf32>,
    %get3A_906 = vector.shape_cast %get3A_905 : vector<16xf32> to vector<16xf32>
    %jit3A_907 = arith.constant 0.000000e+00 : f32
    %broadcast_in_dim3A_908 = vector.broadcast %jit3A_907 : f32 to vector<16xf32>
    %select_n3A_909 = arith.select %lt3A_896, %get3A_906, %broadcast_in_dim3A_908 : vector<16xi1>, vector<16xf32>
    %add3A_910 = arith.addf %add3A_889, %select_n3A_909 : vector<16xf32>
    %add3A_911 = arith.constant 128 : i32
    %add3A_912 = arith.addi %mul3A_2, %add3A_911 : i32
    %add3A_913 = vector.broadcast %add3A_912 : i32 to vector<16xi32>
    %add3A_914 = arith.addi %add3A_913, %iota3A : vector<16xi32>
    %lt3A_915 = arith.constant 10000 : i32
    %lt3A_916 = vector.broadcast %lt3A_915 : i32 to vector<16xi32>
    %lt3A_917 = arith.cmpi slt, %add3A_914, %lt3A_916 : vector<16xi32>
    %get3A_918 = arith.constant 128 : index
    %get3A_919 = tpu.vector_load %arg16[%get3A_918] {strides = array<i32>} : memref<384xf32, #tpu.memory_space<vmem>>, vector<16xf32>,
    %get3A_920 = vector.shape_cast %get3A_919 : vector<16xf32> to vector<16xf32>
    %jit3A_921 = arith.constant 0.000000e+00 : f32
    %broadcast_in_dim3A_922 = vector.broadcast %jit3A_921 : f32 to vector<16xf32>
    %select_n3A_923 = arith.select %lt3A_917, %get3A_920, %broadcast_in_dim3A_922 : vector<16xi1>, vector<16xf32>
    %add3A_924 = arith.addf %add3A_903, %select_n3A_923 : vector<16xf32>
    %get3A_925 = arith.constant 128 : index
    %get3A_926 = tpu.vector_load %arg17[%get3A_925] {strides = array<i32>} : memref<384xf32, #tpu.memory_space<vmem>>, vector<16xf32>,
    %get3A_927 = vector.shape_cast %get3A_926 : vector<16xf32> to vector<16xf32>
    %jit3A_928 = arith.constant 0.000000e+00 : f32
    %broadcast_in_dim3A_929 = vector.broadcast %jit3A_928 : f32 to vector<16xf32>
    %select_n3A_930 = arith.select %lt3A_917, %get3A_927, %broadcast_in_dim3A_929 : vector<16xi1>, vector<16xf32>
    %add3A_931 = arith.addf %add3A_910, %select_n3A_930 : vector<16xf32>
    %add3A_932 = arith.constant 144 : i32
    %add3A_933 = arith.addi %mul3A_2, %add3A_932 : i32
    %add3A_934 = vector.broadcast %add3A_933 : i32 to vector<16xi32>
    %add3A_935 = arith.addi %add3A_934, %iota3A : vector<16xi32>
    %lt3A_936 = arith.constant 10000 : i32
    %lt3A_937 = vector.broadcast %lt3A_936 : i32 to vector<16xi32>
    %lt3A_938 = arith.cmpi slt, %add3A_935, %lt3A_937 : vector<16xi32>
    %get3A_939 = arith.constant 144 : index
    %get3A_940 = tpu.vector_load %arg16[%get3A_939] {strides = array<i32>} : memref<384xf32, #tpu.memory_space<vmem>>, vector<16xf32>,
    %get3A_941 = vector.shape_cast %get3A_940 : vector<16xf32> to vector<16xf32>
    %jit3A_942 = arith.constant 0.000000e+00 : f32
    %broadcast_in_dim3A_943 = vector.broadcast %jit3A_942 : f32 to vector<16xf32>
    %select_n3A_944 = arith.select %lt3A_938, %get3A_941, %broadcast_in_dim3A_943 : vector<16xi1>, vector<16xf32>
    %add3A_945 = arith.addf %add3A_924, %select_n3A_944 : vector<16xf32>
    %get3A_946 = arith.constant 144 : index
    %get3A_947 = tpu.vector_load %arg17[%get3A_946] {strides = array<i32>} : memref<384xf32, #tpu.memory_space<vmem>>, vector<16xf32>,
    %get3A_948 = vector.shape_cast %get3A_947 : vector<16xf32> to vector<16xf32>
    %jit3A_949 = arith.constant 0.000000e+00 : f32
    %broadcast_in_dim3A_950 = vector.broadcast %jit3A_949 : f32 to vector<16xf32>
    %select_n3A_951 = arith.select %lt3A_938, %get3A_948, %broadcast_in_dim3A_950 : vector<16xi1>, vector<16xf32>
    %add3A_952 = arith.addf %add3A_931, %select_n3A_951 : vector<16xf32>
    %add3A_953 = arith.constant 160 : i32
    %add3A_954 = arith.addi %mul3A_2, %add3A_953 : i32
    %add3A_955 = vector.broadcast %add3A_954 : i32 to vector<16xi32>
    %add3A_956 = arith.addi %add3A_955, %iota3A : vector<16xi32>
    %lt3A_957 = arith.constant 10000 : i32
    %lt3A_958 = vector.broadcast %lt3A_957 : i32 to vector<16xi32>
    %lt3A_959 = arith.cmpi slt, %add3A_956, %lt3A_958 : vector<16xi32>
    %get3A_960 = arith.constant 160 : index
    %get3A_961 = tpu.vector_load %arg16[%get3A_960] {strides = array<i32>} : memref<384xf32, #tpu.memory_space<vmem>>, vector<16xf32>,
    %get3A_962 = vector.shape_cast %get3A_961 : vector<16xf32> to vector<16xf32>
    %jit3A_963 = arith.constant 0.000000e+00 : f32
    %broadcast_in_dim3A_964 = vector.broadcast %jit3A_963 : f32 to vector<16xf32>
    %select_n3A_965 = arith.select %lt3A_959, %get3A_962, %broadcast_in_dim3A_964 : vector<16xi1>, vector<16xf32>
    %add3A_966 = arith.addf %add3A_945, %select_n3A_965 : vector<16xf32>
    %get3A_967 = arith.constant 160 : index
    %get3A_968 = tpu.vector_load %arg17[%get3A_967] {strides = array<i32>} : memref<384xf32, #tpu.memory_space<vmem>>, vector<16xf32>,
    %get3A_969 = vector.shape_cast %get3A_968 : vector<16xf32> to vector<16xf32>
    %jit3A_970 = arith.constant 0.000000e+00 : f32
    %broadcast_in_dim3A_971 = vector.broadcast %jit3A_970 : f32 to vector<16xf32>
    %select_n3A_972 = arith.select %lt3A_959, %get3A_969, %broadcast_in_dim3A_971 : vector<16xi1>, vector<16xf32>
    %add3A_973 = arith.addf %add3A_952, %select_n3A_972 : vector<16xf32>
    %add3A_974 = arith.constant 176 : i32
    %add3A_975 = arith.addi %mul3A_2, %add3A_974 : i32
    %add3A_976 = vector.broadcast %add3A_975 : i32 to vector<16xi32>
    %add3A_977 = arith.addi %add3A_976, %iota3A : vector<16xi32>
    %lt3A_978 = arith.constant 10000 : i32
    %lt3A_979 = vector.broadcast %lt3A_978 : i32 to vector<16xi32>
    %lt3A_980 = arith.cmpi slt, %add3A_977, %lt3A_979 : vector<16xi32>
    %get3A_981 = arith.constant 176 : index
    %get3A_982 = tpu.vector_load %arg16[%get3A_981] {strides = array<i32>} : memref<384xf32, #tpu.memory_space<vmem>>, vector<16xf32>,
    %get3A_983 = vector.shape_cast %get3A_982 : vector<16xf32> to vector<16xf32>
    %jit3A_984 = arith.constant 0.000000e+00 : f32
    %broadcast_in_dim3A_985 = vector.broadcast %jit3A_984 : f32 to vector<16xf32>
    %select_n3A_986 = arith.select %lt3A_980, %get3A_983, %broadcast_in_dim3A_985 : vector<16xi1>, vector<16xf32>
    %add3A_987 = arith.addf %add3A_966, %select_n3A_986 : vector<16xf32>
    %get3A_988 = arith.constant 176 : index
    %get3A_989 = tpu.vector_load %arg17[%get3A_988] {strides = array<i32>} : memref<384xf32, #tpu.memory_space<vmem>>, vector<16xf32>,
    %get3A_990 = vector.shape_cast %get3A_989 : vector<16xf32> to vector<16xf32>
    %jit3A_991 = arith.constant 0.000000e+00 : f32
    %broadcast_in_dim3A_992 = vector.broadcast %jit3A_991 : f32 to vector<16xf32>
    %select_n3A_993 = arith.select %lt3A_980, %get3A_990, %broadcast_in_dim3A_992 : vector<16xi1>, vector<16xf32>
    %add3A_994 = arith.addf %add3A_973, %select_n3A_993 : vector<16xf32>
    %add3A_995 = arith.constant 192 : i32
    %add3A_996 = arith.addi %mul3A_2, %add3A_995 : i32
    %add3A_997 = vector.broadcast %add3A_996 : i32 to vector<16xi32>
    %add3A_998 = arith.addi %add3A_997, %iota3A : vector<16xi32>
    %lt3A_999 = arith.constant 10000 : i32
    %lt3A_1000 = vector.broadcast %lt3A_999 : i32 to vector<16xi32>
    %lt3A_1001 = arith.cmpi slt, %add3A_998, %lt3A_1000 : vector<16xi32>
    %get3A_1002 = arith.constant 192 : index
    %get3A_1003 = tpu.vector_load %arg16[%get3A_1002] {strides = array<i32>} : memref<384xf32, #tpu.memory_space<vmem>>, vector<16xf32>,
    %get3A_1004 = vector.shape_cast %get3A_1003 : vector<16xf32> to vector<16xf32>
    %jit3A_1005 = arith.constant 0.000000e+00 : f32
    %broadcast_in_dim3A_1006 = vector.broadcast %jit3A_1005 : f32 to vector<16xf32>
    %select_n3A_1007 = arith.select %lt3A_1001, %get3A_1004, %broadcast_in_dim3A_1006 : vector<16xi1>, vector<16xf32>
    %add3A_1008 = arith.addf %add3A_987, %select_n3A_1007 : vector<16xf32>
    %get3A_1009 = arith.constant 192 : index
    %get3A_1010 = tpu.vector_load %arg17[%get3A_1009] {strides = array<i32>} : memref<384xf32, #tpu.memory_space<vmem>>, vector<16xf32>,
    %get3A_1011 = vector.shape_cast %get3A_1010 : vector<16xf32> to vector<16xf32>
    %jit3A_1012 = arith.constant 0.000000e+00 : f32
    %broadcast_in_dim3A_1013 = vector.broadcast %jit3A_1012 : f32 to vector<16xf32>
    %select_n3A_1014 = arith.select %lt3A_1001, %get3A_1011, %broadcast_in_dim3A_1013 : vector<16xi1>, vector<16xf32>
    %add3A_1015 = arith.addf %add3A_994, %select_n3A_1014 : vector<16xf32>
    %add3A_1016 = arith.constant 208 : i32
    %add3A_1017 = arith.addi %mul3A_2, %add3A_1016 : i32
    %add3A_1018 = vector.broadcast %add3A_1017 : i32 to vector<16xi32>
    %add3A_1019 = arith.addi %add3A_1018, %iota3A : vector<16xi32>
    %lt3A_1020 = arith.constant 10000 : i32
    %lt3A_1021 = vector.broadcast %lt3A_1020 : i32 to vector<16xi32>
    %lt3A_1022 = arith.cmpi slt, %add3A_1019, %lt3A_1021 : vector<16xi32>
    %get3A_1023 = arith.constant 208 : index
    %get3A_1024 = tpu.vector_load %arg16[%get3A_1023] {strides = array<i32>} : memref<384xf32, #tpu.memory_space<vmem>>, vector<16xf32>,
    %get3A_1025 = vector.shape_cast %get3A_1024 : vector<16xf32> to vector<16xf32>
    %jit3A_1026 = arith.constant 0.000000e+00 : f32
    %broadcast_in_dim3A_1027 = vector.broadcast %jit3A_1026 : f32 to vector<16xf32>
    %select_n3A_1028 = arith.select %lt3A_1022, %get3A_1025, %broadcast_in_dim3A_1027 : vector<16xi1>, vector<16xf32>
    %add3A_1029 = arith.addf %add3A_1008, %select_n3A_1028 : vector<16xf32>
    %get3A_1030 = arith.constant 208 : index
    %get3A_1031 = tpu.vector_load %arg17[%get3A_1030] {strides = array<i32>} : memref<384xf32, #tpu.memory_space<vmem>>, vector<16xf32>,
    %get3A_1032 = vector.shape_cast %get3A_1031 : vector<16xf32> to vector<16xf32>
    %jit3A_1033 = arith.constant 0.000000e+00 : f32
    %broadcast_in_dim3A_1034 = vector.broadcast %jit3A_1033 : f32 to vector<16xf32>
    %select_n3A_1035 = arith.select %lt3A_1022, %get3A_1032, %broadcast_in_dim3A_1034 : vector<16xi1>, vector<16xf32>
    %add3A_1036 = arith.addf %add3A_1015, %select_n3A_1035 : vector<16xf32>
    %add3A_1037 = arith.constant 224 : i32
    %add3A_1038 = arith.addi %mul3A_2, %add3A_1037 : i32
    %add3A_1039 = vector.broadcast %add3A_1038 : i32 to vector<16xi32>
    %add3A_1040 = arith.addi %add3A_1039, %iota3A : vector<16xi32>
    %lt3A_1041 = arith.constant 10000 : i32
    %lt3A_1042 = vector.broadcast %lt3A_1041 : i32 to vector<16xi32>
    %lt3A_1043 = arith.cmpi slt, %add3A_1040, %lt3A_1042 : vector<16xi32>
    %get3A_1044 = arith.constant 224 : index
    %get3A_1045 = tpu.vector_load %arg16[%get3A_1044] {strides = array<i32>} : memref<384xf32, #tpu.memory_space<vmem>>, vector<16xf32>,
    %get3A_1046 = vector.shape_cast %get3A_1045 : vector<16xf32> to vector<16xf32>
    %jit3A_1047 = arith.constant 0.000000e+00 : f32
    %broadcast_in_dim3A_1048 = vector.broadcast %jit3A_1047 : f32 to vector<16xf32>
    %select_n3A_1049 = arith.select %lt3A_1043, %get3A_1046, %broadcast_in_dim3A_1048 : vector<16xi1>, vector<16xf32>
    %add3A_1050 = arith.addf %add3A_1029, %select_n3A_1049 : vector<16xf32>
    %get3A_1051 = arith.constant 224 : index
    %get3A_1052 = tpu.vector_load %arg17[%get3A_1051] {strides = array<i32>} : memref<384xf32, #tpu.memory_space<vmem>>, vector<16xf32>,
    %get3A_1053 = vector.shape_cast %get3A_1052 : vector<16xf32> to vector<16xf32>
    %jit3A_1054 = arith.constant 0.000000e+00 : f32
    %broadcast_in_dim3A_1055 = vector.broadcast %jit3A_1054 : f32 to vector<16xf32>
    %select_n3A_1056 = arith.select %lt3A_1043, %get3A_1053, %broadcast_in_dim3A_1055 : vector<16xi1>, vector<16xf32>
    %add3A_1057 = arith.addf %add3A_1036, %select_n3A_1056 : vector<16xf32>
    %add3A_1058 = arith.constant 240 : i32
    %add3A_1059 = arith.addi %mul3A_2, %add3A_1058 : i32
    %add3A_1060 = vector.broadcast %add3A_1059 : i32 to vector<16xi32>
    %add3A_1061 = arith.addi %add3A_1060, %iota3A : vector<16xi32>
    %lt3A_1062 = arith.constant 10000 : i32
    %lt3A_1063 = vector.broadcast %lt3A_1062 : i32 to vector<16xi32>
    %lt3A_1064 = arith.cmpi slt, %add3A_1061, %lt3A_1063 : vector<16xi32>
    %get3A_1065 = arith.constant 240 : index
    %get3A_1066 = tpu.vector_load %arg16[%get3A_1065] {strides = array<i32>} : memref<384xf32, #tpu.memory_space<vmem>>, vector<16xf32>,
    %get3A_1067 = vector.shape_cast %get3A_1066 : vector<16xf32> to vector<16xf32>
    %jit3A_1068 = arith.constant 0.000000e+00 : f32
    %broadcast_in_dim3A_1069 = vector.broadcast %jit3A_1068 : f32 to vector<16xf32>
    %select_n3A_1070 = arith.select %lt3A_1064, %get3A_1067, %broadcast_in_dim3A_1069 : vector<16xi1>, vector<16xf32>
    %add3A_1071 = arith.addf %add3A_1050, %select_n3A_1070 : vector<16xf32>
    %get3A_1072 = arith.constant 240 : index
    %get3A_1073 = tpu.vector_load %arg17[%get3A_1072] {strides = array<i32>} : memref<384xf32, #tpu.memory_space<vmem>>, vector<16xf32>,
    %get3A_1074 = vector.shape_cast %get3A_1073 : vector<16xf32> to vector<16xf32>
    %jit3A_1075 = arith.constant 0.000000e+00 : f32
    %broadcast_in_dim3A_1076 = vector.broadcast %jit3A_1075 : f32 to vector<16xf32>
    %select_n3A_1077 = arith.select %lt3A_1064, %get3A_1074, %broadcast_in_dim3A_1076 : vector<16xi1>, vector<16xf32>
    %add3A_1078 = arith.addf %add3A_1057, %select_n3A_1077 : vector<16xf32>
    %add3A_1079 = arith.constant 256 : i32
    %add3A_1080 = arith.addi %mul3A_2, %add3A_1079 : i32
    %add3A_1081 = vector.broadcast %add3A_1080 : i32 to vector<16xi32>
    %add3A_1082 = arith.addi %add3A_1081, %iota3A : vector<16xi32>
    %lt3A_1083 = arith.constant 10000 : i32
    %lt3A_1084 = vector.broadcast %lt3A_1083 : i32 to vector<16xi32>
    %lt3A_1085 = arith.cmpi slt, %add3A_1082, %lt3A_1084 : vector<16xi32>
    %get3A_1086 = arith.constant 256 : index
    %get3A_1087 = tpu.vector_load %arg16[%get3A_1086] {strides = array<i32>} : memref<384xf32, #tpu.memory_space<vmem>>, vector<16xf32>,
    %get3A_1088 = vector.shape_cast %get3A_1087 : vector<16xf32> to vector<16xf32>
    %jit3A_1089 = arith.constant 0.000000e+00 : f32
    %broadcast_in_dim3A_1090 = vector.broadcast %jit3A_1089 : f32 to vector<16xf32>
    %select_n3A_1091 = arith.select %lt3A_1085, %get3A_1088, %broadcast_in_dim3A_1090 : vector<16xi1>, vector<16xf32>
    %add3A_1092 = arith.addf %add3A_1071, %select_n3A_1091 : vector<16xf32>
    %get3A_1093 = arith.constant 256 : index
    %get3A_1094 = tpu.vector_load %arg17[%get3A_1093] {strides = array<i32>} : memref<384xf32, #tpu.memory_space<vmem>>, vector<16xf32>,
    %get3A_1095 = vector.shape_cast %get3A_1094 : vector<16xf32> to vector<16xf32>
    %jit3A_1096 = arith.constant 0.000000e+00 : f32
    %broadcast_in_dim3A_1097 = vector.broadcast %jit3A_1096 : f32 to vector<16xf32>
    %select_n3A_1098 = arith.select %lt3A_1085, %get3A_1095, %broadcast_in_dim3A_1097 : vector<16xi1>, vector<16xf32>
    %add3A_1099 = arith.addf %add3A_1078, %select_n3A_1098 : vector<16xf32>
    %add3A_1100 = arith.constant 272 : i32
    %add3A_1101 = arith.addi %mul3A_2, %add3A_1100 : i32
    %add3A_1102 = vector.broadcast %add3A_1101 : i32 to vector<16xi32>
    %add3A_1103 = arith.addi %add3A_1102, %iota3A : vector<16xi32>
    %lt3A_1104 = arith.constant 10000 : i32
    %lt3A_1105 = vector.broadcast %lt3A_1104 : i32 to vector<16xi32>
    %lt3A_1106 = arith.cmpi slt, %add3A_1103, %lt3A_1105 : vector<16xi32>
    %get3A_1107 = arith.constant 272 : index
    %get3A_1108 = tpu.vector_load %arg16[%get3A_1107] {strides = array<i32>} : memref<384xf32, #tpu.memory_space<vmem>>, vector<16xf32>,
    %get3A_1109 = vector.shape_cast %get3A_1108 : vector<16xf32> to vector<16xf32>
    %jit3A_1110 = arith.constant 0.000000e+00 : f32
    %broadcast_in_dim3A_1111 = vector.broadcast %jit3A_1110 : f32 to vector<16xf32>
    %select_n3A_1112 = arith.select %lt3A_1106, %get3A_1109, %broadcast_in_dim3A_1111 : vector<16xi1>, vector<16xf32>
    %add3A_1113 = arith.addf %add3A_1092, %select_n3A_1112 : vector<16xf32>
    %get3A_1114 = arith.constant 272 : index
    %get3A_1115 = tpu.vector_load %arg17[%get3A_1114] {strides = array<i32>} : memref<384xf32, #tpu.memory_space<vmem>>, vector<16xf32>,
    %get3A_1116 = vector.shape_cast %get3A_1115 : vector<16xf32> to vector<16xf32>
    %jit3A_1117 = arith.constant 0.000000e+00 : f32
    %broadcast_in_dim3A_1118 = vector.broadcast %jit3A_1117 : f32 to vector<16xf32>
    %select_n3A_1119 = arith.select %lt3A_1106, %get3A_1116, %broadcast_in_dim3A_1118 : vector<16xi1>, vector<16xf32>
    %add3A_1120 = arith.addf %add3A_1099, %select_n3A_1119 : vector<16xf32>
    %add3A_1121 = arith.constant 288 : i32
    %add3A_1122 = arith.addi %mul3A_2, %add3A_1121 : i32
    %add3A_1123 = vector.broadcast %add3A_1122 : i32 to vector<16xi32>
    %add3A_1124 = arith.addi %add3A_1123, %iota3A : vector<16xi32>
    %lt3A_1125 = arith.constant 10000 : i32
    %lt3A_1126 = vector.broadcast %lt3A_1125 : i32 to vector<16xi32>
    %lt3A_1127 = arith.cmpi slt, %add3A_1124, %lt3A_1126 : vector<16xi32>
    %get3A_1128 = arith.constant 288 : index
    %get3A_1129 = tpu.vector_load %arg16[%get3A_1128] {strides = array<i32>} : memref<384xf32, #tpu.memory_space<vmem>>, vector<16xf32>,
    %get3A_1130 = vector.shape_cast %get3A_1129 : vector<16xf32> to vector<16xf32>
    %jit3A_1131 = arith.constant 0.000000e+00 : f32
    %broadcast_in_dim3A_1132 = vector.broadcast %jit3A_1131 : f32 to vector<16xf32>
    %select_n3A_1133 = arith.select %lt3A_1127, %get3A_1130, %broadcast_in_dim3A_1132 : vector<16xi1>, vector<16xf32>
    %add3A_1134 = arith.addf %add3A_1113, %select_n3A_1133 : vector<16xf32>
    %get3A_1135 = arith.constant 288 : index
    %get3A_1136 = tpu.vector_load %arg17[%get3A_1135] {strides = array<i32>} : memref<384xf32, #tpu.memory_space<vmem>>, vector<16xf32>,
    %get3A_1137 = vector.shape_cast %get3A_1136 : vector<16xf32> to vector<16xf32>
    %jit3A_1138 = arith.constant 0.000000e+00 : f32
    %broadcast_in_dim3A_1139 = vector.broadcast %jit3A_1138 : f32 to vector<16xf32>
    %select_n3A_1140 = arith.select %lt3A_1127, %get3A_1137, %broadcast_in_dim3A_1139 : vector<16xi1>, vector<16xf32>
    %add3A_1141 = arith.addf %add3A_1120, %select_n3A_1140 : vector<16xf32>
    %add3A_1142 = arith.constant 304 : i32
    %add3A_1143 = arith.addi %mul3A_2, %add3A_1142 : i32
    %add3A_1144 = vector.broadcast %add3A_1143 : i32 to vector<16xi32>
    %add3A_1145 = arith.addi %add3A_1144, %iota3A : vector<16xi32>
    %lt3A_1146 = arith.constant 10000 : i32
    %lt3A_1147 = vector.broadcast %lt3A_1146 : i32 to vector<16xi32>
    %lt3A_1148 = arith.cmpi slt, %add3A_1145, %lt3A_1147 : vector<16xi32>
    %get3A_1149 = arith.constant 304 : index
    %get3A_1150 = tpu.vector_load %arg16[%get3A_1149] {strides = array<i32>} : memref<384xf32, #tpu.memory_space<vmem>>, vector<16xf32>,
    %get3A_1151 = vector.shape_cast %get3A_1150 : vector<16xf32> to vector<16xf32>
    %jit3A_1152 = arith.constant 0.000000e+00 : f32
    %broadcast_in_dim3A_1153 = vector.broadcast %jit3A_1152 : f32 to vector<16xf32>
    %select_n3A_1154 = arith.select %lt3A_1148, %get3A_1151, %broadcast_in_dim3A_1153 : vector<16xi1>, vector<16xf32>
    %add3A_1155 = arith.addf %add3A_1134, %select_n3A_1154 : vector<16xf32>
    %get3A_1156 = arith.constant 304 : index
    %get3A_1157 = tpu.vector_load %arg17[%get3A_1156] {strides = array<i32>} : memref<384xf32, #tpu.memory_space<vmem>>, vector<16xf32>,
    %get3A_1158 = vector.shape_cast %get3A_1157 : vector<16xf32> to vector<16xf32>
    %jit3A_1159 = arith.constant 0.000000e+00 : f32
    %broadcast_in_dim3A_1160 = vector.broadcast %jit3A_1159 : f32 to vector<16xf32>
    %select_n3A_1161 = arith.select %lt3A_1148, %get3A_1158, %broadcast_in_dim3A_1160 : vector<16xi1>, vector<16xf32>
    %add3A_1162 = arith.addf %add3A_1141, %select_n3A_1161 : vector<16xf32>
    %add3A_1163 = arith.constant 320 : i32
    %add3A_1164 = arith.addi %mul3A_2, %add3A_1163 : i32
    %add3A_1165 = vector.broadcast %add3A_1164 : i32 to vector<16xi32>
    %add3A_1166 = arith.addi %add3A_1165, %iota3A : vector<16xi32>
    %lt3A_1167 = arith.constant 10000 : i32
    %lt3A_1168 = vector.broadcast %lt3A_1167 : i32 to vector<16xi32>
    %lt3A_1169 = arith.cmpi slt, %add3A_1166, %lt3A_1168 : vector<16xi32>
    %get3A_1170 = arith.constant 320 : index
    %get3A_1171 = tpu.vector_load %arg16[%get3A_1170] {strides = array<i32>} : memref<384xf32, #tpu.memory_space<vmem>>, vector<16xf32>,
    %get3A_1172 = vector.shape_cast %get3A_1171 : vector<16xf32> to vector<16xf32>
    %jit3A_1173 = arith.constant 0.000000e+00 : f32
    %broadcast_in_dim3A_1174 = vector.broadcast %jit3A_1173 : f32 to vector<16xf32>
    %select_n3A_1175 = arith.select %lt3A_1169, %get3A_1172, %broadcast_in_dim3A_1174 : vector<16xi1>, vector<16xf32>
    %add3A_1176 = arith.addf %add3A_1155, %select_n3A_1175 : vector<16xf32>
    %get3A_1177 = arith.constant 320 : index
    %get3A_1178 = tpu.vector_load %arg17[%get3A_1177] {strides = array<i32>} : memref<384xf32, #tpu.memory_space<vmem>>, vector<16xf32>,
    %get3A_1179 = vector.shape_cast %get3A_1178 : vector<16xf32> to vector<16xf32>
    %jit3A_1180 = arith.constant 0.000000e+00 : f32
    %broadcast_in_dim3A_1181 = vector.broadcast %jit3A_1180 : f32 to vector<16xf32>
    %select_n3A_1182 = arith.select %lt3A_1169, %get3A_1179, %broadcast_in_dim3A_1181 : vector<16xi1>, vector<16xf32>
    %add3A_1183 = arith.addf %add3A_1162, %select_n3A_1182 : vector<16xf32>
    %add3A_1184 = arith.constant 336 : i32
    %add3A_1185 = arith.addi %mul3A_2, %add3A_1184 : i32
    %add3A_1186 = vector.broadcast %add3A_1185 : i32 to vector<16xi32>
    %add3A_1187 = arith.addi %add3A_1186, %iota3A : vector<16xi32>
    %lt3A_1188 = arith.constant 10000 : i32
    %lt3A_1189 = vector.broadcast %lt3A_1188 : i32 to vector<16xi32>
    %lt3A_1190 = arith.cmpi slt, %add3A_1187, %lt3A_1189 : vector<16xi32>
    %get3A_1191 = arith.constant 336 : index
    %get3A_1192 = tpu.vector_load %arg16[%get3A_1191] {strides = array<i32>} : memref<384xf32, #tpu.memory_space<vmem>>, vector<16xf32>,
    %get3A_1193 = vector.shape_cast %get3A_1192 : vector<16xf32> to vector<16xf32>
    %jit3A_1194 = arith.constant 0.000000e+00 : f32
    %broadcast_in_dim3A_1195 = vector.broadcast %jit3A_1194 : f32 to vector<16xf32>
    %select_n3A_1196 = arith.select %lt3A_1190, %get3A_1193, %broadcast_in_dim3A_1195 : vector<16xi1>, vector<16xf32>
    %add3A_1197 = arith.addf %add3A_1176, %select_n3A_1196 : vector<16xf32>
    %get3A_1198 = arith.constant 336 : index
    %get3A_1199 = tpu.vector_load %arg17[%get3A_1198] {strides = array<i32>} : memref<384xf32, #tpu.memory_space<vmem>>, vector<16xf32>,
    %get3A_1200 = vector.shape_cast %get3A_1199 : vector<16xf32> to vector<16xf32>
    %jit3A_1201 = arith.constant 0.000000e+00 : f32
    %broadcast_in_dim3A_1202 = vector.broadcast %jit3A_1201 : f32 to vector<16xf32>
    %select_n3A_1203 = arith.select %lt3A_1190, %get3A_1200, %broadcast_in_dim3A_1202 : vector<16xi1>, vector<16xf32>
    %add3A_1204 = arith.addf %add3A_1183, %select_n3A_1203 : vector<16xf32>
    %add3A_1205 = arith.constant 352 : i32
    %add3A_1206 = arith.addi %mul3A_2, %add3A_1205 : i32
    %add3A_1207 = vector.broadcast %add3A_1206 : i32 to vector<16xi32>
    %add3A_1208 = arith.addi %add3A_1207, %iota3A : vector<16xi32>
    %lt3A_1209 = arith.constant 10000 : i32
    %lt3A_1210 = vector.broadcast %lt3A_1209 : i32 to vector<16xi32>
    %lt3A_1211 = arith.cmpi slt, %add3A_1208, %lt3A_1210 : vector<16xi32>
    %get3A_1212 = arith.constant 352 : index
    %get3A_1213 = tpu.vector_load %arg16[%get3A_1212] {strides = array<i32>} : memref<384xf32, #tpu.memory_space<vmem>>, vector<16xf32>,
    %get3A_1214 = vector.shape_cast %get3A_1213 : vector<16xf32> to vector<16xf32>
    %jit3A_1215 = arith.constant 0.000000e+00 : f32
    %broadcast_in_dim3A_1216 = vector.broadcast %jit3A_1215 : f32 to vector<16xf32>
    %select_n3A_1217 = arith.select %lt3A_1211, %get3A_1214, %broadcast_in_dim3A_1216 : vector<16xi1>, vector<16xf32>
    %add3A_1218 = arith.addf %add3A_1197, %select_n3A_1217 : vector<16xf32>
    %get3A_1219 = arith.constant 352 : index
    %get3A_1220 = tpu.vector_load %arg17[%get3A_1219] {strides = array<i32>} : memref<384xf32, #tpu.memory_space<vmem>>, vector<16xf32>,
    %get3A_1221 = vector.shape_cast %get3A_1220 : vector<16xf32> to vector<16xf32>
    %jit3A_1222 = arith.constant 0.000000e+00 : f32
    %broadcast_in_dim3A_1223 = vector.broadcast %jit3A_1222 : f32 to vector<16xf32>
    %select_n3A_1224 = arith.select %lt3A_1211, %get3A_1221, %broadcast_in_dim3A_1223 : vector<16xi1>, vector<16xf32>
    %add3A_1225 = arith.addf %add3A_1204, %select_n3A_1224 : vector<16xf32>
    %add3A_1226 = arith.constant 368 : i32
    %add3A_1227 = arith.addi %mul3A_2, %add3A_1226 : i32
    %add3A_1228 = vector.broadcast %add3A_1227 : i32 to vector<16xi32>
    %add3A_1229 = arith.addi %add3A_1228, %iota3A : vector<16xi32>
    %lt3A_1230 = arith.constant 10000 : i32
    %lt3A_1231 = vector.broadcast %lt3A_1230 : i32 to vector<16xi32>
    %lt3A_1232 = arith.cmpi slt, %add3A_1229, %lt3A_1231 : vector<16xi32>
    %get3A_1233 = arith.constant 368 : index
    %get3A_1234 = tpu.vector_load %arg16[%get3A_1233] {strides = array<i32>} : memref<384xf32, #tpu.memory_space<vmem>>, vector<16xf32>,
    %get3A_1235 = vector.shape_cast %get3A_1234 : vector<16xf32> to vector<16xf32>
    %jit3A_1236 = arith.constant 0.000000e+00 : f32
    %broadcast_in_dim3A_1237 = vector.broadcast %jit3A_1236 : f32 to vector<16xf32>
    %select_n3A_1238 = arith.select %lt3A_1232, %get3A_1235, %broadcast_in_dim3A_1237 : vector<16xi1>, vector<16xf32>
    %add3A_1239 = arith.addf %add3A_1218, %select_n3A_1238 : vector<16xf32>
    %get3A_1240 = arith.constant 368 : index
    %get3A_1241 = tpu.vector_load %arg17[%get3A_1240] {strides = array<i32>} : memref<384xf32, #tpu.memory_space<vmem>>, vector<16xf32>,
    %get3A_1242 = vector.shape_cast %get3A_1241 : vector<16xf32> to vector<16xf32>
    %jit3A_1243 = arith.constant 0.000000e+00 : f32
    %broadcast_in_dim3A_1244 = vector.broadcast %jit3A_1243 : f32 to vector<16xf32>
    %select_n3A_1245 = arith.select %lt3A_1232, %get3A_1242, %broadcast_in_dim3A_1244 : vector<16xi1>, vector<16xf32>
    %add3A_1246 = arith.addf %add3A_1225, %select_n3A_1245 : vector<16xf32>
    %add3A_1247 = arith.constant 0 : i32
    %add3A_1248 = arith.addi %mul3A_4, %add3A_1247 : i32
    %add3A_1249 = vector.broadcast %add3A_1248 : i32 to vector<16xi32>
    %add3A_1250 = arith.addi %add3A_1249, %iota3A : vector<16xi32>
    %lt3A_1251 = arith.constant 4000 : i32
    %lt3A_1252 = vector.broadcast %lt3A_1251 : i32 to vector<16xi32>
    %lt3A_1253 = arith.cmpi slt, %add3A_1250, %lt3A_1252 : vector<16xi32>
    %get3A_1254 = arith.constant 0 : index
    %get3A_1255 = tpu.vector_load %arg18[%get3A_1254] {strides = array<i32>} : memref<128xf32, #tpu.memory_space<vmem>>, vector<16xf32>,
    %get3A_1256 = vector.shape_cast %get3A_1255 : vector<16xf32> to vector<16xf32>
    %jit3A_1257 = arith.constant 0.000000e+00 : f32
    %broadcast_in_dim3A_1258 = vector.broadcast %jit3A_1257 : f32 to vector<16xf32>
    %select_n3A_1259 = arith.select %lt3A_1253, %get3A_1256, %broadcast_in_dim3A_1258 : vector<16xi1>, vector<16xf32>
    %add3A_1260 = arith.addf %broadcast_in_dim3A_745, %select_n3A_1259 : vector<16xf32>
    %add3A_1261 = arith.constant 16 : i32
    %add3A_1262 = arith.addi %mul3A_4, %add3A_1261 : i32
    %add3A_1263 = vector.broadcast %add3A_1262 : i32 to vector<16xi32>
    %add3A_1264 = arith.addi %add3A_1263, %iota3A : vector<16xi32>
    %lt3A_1265 = arith.constant 4000 : i32
    %lt3A_1266 = vector.broadcast %lt3A_1265 : i32 to vector<16xi32>
    %lt3A_1267 = arith.cmpi slt, %add3A_1264, %lt3A_1266 : vector<16xi32>
    %get3A_1268 = arith.constant 16 : index
    %get3A_1269 = tpu.vector_load %arg18[%get3A_1268] {strides = array<i32>} : memref<128xf32, #tpu.memory_space<vmem>>, vector<16xf32>,
    %get3A_1270 = vector.shape_cast %get3A_1269 : vector<16xf32> to vector<16xf32>
    %jit3A_1271 = arith.constant 0.000000e+00 : f32
    %broadcast_in_dim3A_1272 = vector.broadcast %jit3A_1271 : f32 to vector<16xf32>
    %select_n3A_1273 = arith.select %lt3A_1267, %get3A_1270, %broadcast_in_dim3A_1272 : vector<16xi1>, vector<16xf32>
    %add3A_1274 = arith.addf %add3A_1260, %select_n3A_1273 : vector<16xf32>
    %add3A_1275 = arith.constant 32 : i32
    %add3A_1276 = arith.addi %mul3A_4, %add3A_1275 : i32
    %add3A_1277 = vector.broadcast %add3A_1276 : i32 to vector<16xi32>
    %add3A_1278 = arith.addi %add3A_1277, %iota3A : vector<16xi32>
    %lt3A_1279 = arith.constant 4000 : i32
    %lt3A_1280 = vector.broadcast %lt3A_1279 : i32 to vector<16xi32>
    %lt3A_1281 = arith.cmpi slt, %add3A_1278, %lt3A_1280 : vector<16xi32>
    %get3A_1282 = arith.constant 32 : index
    %get3A_1283 = tpu.vector_load %arg18[%get3A_1282] {strides = array<i32>} : memref<128xf32, #tpu.memory_space<vmem>>, vector<16xf32>,
    %get3A_1284 = vector.shape_cast %get3A_1283 : vector<16xf32> to vector<16xf32>
    %jit3A_1285 = arith.constant 0.000000e+00 : f32
    %broadcast_in_dim3A_1286 = vector.broadcast %jit3A_1285 : f32 to vector<16xf32>
    %select_n3A_1287 = arith.select %lt3A_1281, %get3A_1284, %broadcast_in_dim3A_1286 : vector<16xi1>, vector<16xf32>
    %add3A_1288 = arith.addf %add3A_1274, %select_n3A_1287 : vector<16xf32>
    %add3A_1289 = arith.constant 48 : i32
    %add3A_1290 = arith.addi %mul3A_4, %add3A_1289 : i32
    %add3A_1291 = vector.broadcast %add3A_1290 : i32 to vector<16xi32>
    %add3A_1292 = arith.addi %add3A_1291, %iota3A : vector<16xi32>
    %lt3A_1293 = arith.constant 4000 : i32
    %lt3A_1294 = vector.broadcast %lt3A_1293 : i32 to vector<16xi32>
    %lt3A_1295 = arith.cmpi slt, %add3A_1292, %lt3A_1294 : vector<16xi32>
    %get3A_1296 = arith.constant 48 : index
    %get3A_1297 = tpu.vector_load %arg18[%get3A_1296] {strides = array<i32>} : memref<128xf32, #tpu.memory_space<vmem>>, vector<16xf32>,
    %get3A_1298 = vector.shape_cast %get3A_1297 : vector<16xf32> to vector<16xf32>
    %jit3A_1299 = arith.constant 0.000000e+00 : f32
    %broadcast_in_dim3A_1300 = vector.broadcast %jit3A_1299 : f32 to vector<16xf32>
    %select_n3A_1301 = arith.select %lt3A_1295, %get3A_1298, %broadcast_in_dim3A_1300 : vector<16xi1>, vector<16xf32>
    %add3A_1302 = arith.addf %add3A_1288, %select_n3A_1301 : vector<16xf32>
    %add3A_1303 = arith.constant 64 : i32
    %add3A_1304 = arith.addi %mul3A_4, %add3A_1303 : i32
    %add3A_1305 = vector.broadcast %add3A_1304 : i32 to vector<16xi32>
    %add3A_1306 = arith.addi %add3A_1305, %iota3A : vector<16xi32>
    %lt3A_1307 = arith.constant 4000 : i32
    %lt3A_1308 = vector.broadcast %lt3A_1307 : i32 to vector<16xi32>
    %lt3A_1309 = arith.cmpi slt, %add3A_1306, %lt3A_1308 : vector<16xi32>
    %get3A_1310 = arith.constant 64 : index
    %get3A_1311 = tpu.vector_load %arg18[%get3A_1310] {strides = array<i32>} : memref<128xf32, #tpu.memory_space<vmem>>, vector<16xf32>,
    %get3A_1312 = vector.shape_cast %get3A_1311 : vector<16xf32> to vector<16xf32>
    %jit3A_1313 = arith.constant 0.000000e+00 : f32
    %broadcast_in_dim3A_1314 = vector.broadcast %jit3A_1313 : f32 to vector<16xf32>
    %select_n3A_1315 = arith.select %lt3A_1309, %get3A_1312, %broadcast_in_dim3A_1314 : vector<16xi1>, vector<16xf32>
    %add3A_1316 = arith.addf %add3A_1302, %select_n3A_1315 : vector<16xf32>
    %add3A_1317 = arith.constant 80 : i32
    %add3A_1318 = arith.addi %mul3A_4, %add3A_1317 : i32
    %add3A_1319 = vector.broadcast %add3A_1318 : i32 to vector<16xi32>
    %add3A_1320 = arith.addi %add3A_1319, %iota3A : vector<16xi32>
    %lt3A_1321 = arith.constant 4000 : i32
    %lt3A_1322 = vector.broadcast %lt3A_1321 : i32 to vector<16xi32>
    %lt3A_1323 = arith.cmpi slt, %add3A_1320, %lt3A_1322 : vector<16xi32>
    %get3A_1324 = arith.constant 80 : index
    %get3A_1325 = tpu.vector_load %arg18[%get3A_1324] {strides = array<i32>} : memref<128xf32, #tpu.memory_space<vmem>>, vector<16xf32>,
    %get3A_1326 = vector.shape_cast %get3A_1325 : vector<16xf32> to vector<16xf32>
    %jit3A_1327 = arith.constant 0.000000e+00 : f32
    %broadcast_in_dim3A_1328 = vector.broadcast %jit3A_1327 : f32 to vector<16xf32>
    %select_n3A_1329 = arith.select %lt3A_1323, %get3A_1326, %broadcast_in_dim3A_1328 : vector<16xi1>, vector<16xf32>
    %add3A_1330 = arith.addf %add3A_1316, %select_n3A_1329 : vector<16xf32>
    %add3A_1331 = arith.constant 96 : i32
    %add3A_1332 = arith.addi %mul3A_4, %add3A_1331 : i32
    %add3A_1333 = vector.broadcast %add3A_1332 : i32 to vector<16xi32>
    %add3A_1334 = arith.addi %add3A_1333, %iota3A : vector<16xi32>
    %lt3A_1335 = arith.constant 4000 : i32
    %lt3A_1336 = vector.broadcast %lt3A_1335 : i32 to vector<16xi32>
    %lt3A_1337 = arith.cmpi slt, %add3A_1334, %lt3A_1336 : vector<16xi32>
    %get3A_1338 = arith.constant 96 : index
    %get3A_1339 = tpu.vector_load %arg18[%get3A_1338] {strides = array<i32>} : memref<128xf32, #tpu.memory_space<vmem>>, vector<16xf32>,
    %get3A_1340 = vector.shape_cast %get3A_1339 : vector<16xf32> to vector<16xf32>
    %jit3A_1341 = arith.constant 0.000000e+00 : f32
    %broadcast_in_dim3A_1342 = vector.broadcast %jit3A_1341 : f32 to vector<16xf32>
    %select_n3A_1343 = arith.select %lt3A_1337, %get3A_1340, %broadcast_in_dim3A_1342 : vector<16xi1>, vector<16xf32>
    %add3A_1344 = arith.addf %add3A_1330, %select_n3A_1343 : vector<16xf32>
    %add3A_1345 = arith.constant 112 : i32
    %add3A_1346 = arith.addi %mul3A_4, %add3A_1345 : i32
    %add3A_1347 = vector.broadcast %add3A_1346 : i32 to vector<16xi32>
    %add3A_1348 = arith.addi %add3A_1347, %iota3A : vector<16xi32>
    %lt3A_1349 = arith.constant 4000 : i32
    %lt3A_1350 = vector.broadcast %lt3A_1349 : i32 to vector<16xi32>
    %lt3A_1351 = arith.cmpi slt, %add3A_1348, %lt3A_1350 : vector<16xi32>
    %get3A_1352 = arith.constant 112 : index
    %get3A_1353 = tpu.vector_load %arg18[%get3A_1352] {strides = array<i32>} : memref<128xf32, #tpu.memory_space<vmem>>, vector<16xf32>,
    %get3A_1354 = vector.shape_cast %get3A_1353 : vector<16xf32> to vector<16xf32>
    %jit3A_1355 = arith.constant 0.000000e+00 : f32
    %broadcast_in_dim3A_1356 = vector.broadcast %jit3A_1355 : f32 to vector<16xf32>
    %select_n3A_1357 = arith.select %lt3A_1351, %get3A_1354, %broadcast_in_dim3A_1356 : vector<16xi1>, vector<16xf32>
    %add3A_1358 = arith.addf %add3A_1344, %select_n3A_1357 : vector<16xf32>
    %swap3A_1359 = arith.constant 0 : i32
    %swap3A_1360 = arith.index_cast %swap3A_1359 : i32 to index
    %swap3A_1361 = arith.constant 0 : index
    %swap3A_1362 = tpu.vector_load %arg19[%swap3A_1360, %swap3A_1361] {strides = array<i32>} : memref<3x16xf32, #tpu.memory_space<vmem>>, vector<1x16xf32>,
    %swap3A_1363 = vector.shape_cast %swap3A_1362 : vector<1x16xf32> to vector<16xf32>
    %swap3A_1364 = vector.shape_cast %add3A_1246 : vector<16xf32> to vector<1x16xf32>
    tpu.vector_store %arg19[%swap3A_1360, %swap3A_1361], %swap3A_1364 {strides = array<i32>} : memref<3x16xf32, #tpu.memory_space<vmem>>, vector<1x16xf32>,
    %swap3A_1365 = arith.constant 1 : i32
    %swap3A_1366 = arith.index_cast %swap3A_1365 : i32 to index
    %swap3A_1367 = arith.constant 0 : index
    %swap3A_1368 = tpu.vector_load %arg19[%swap3A_1366, %swap3A_1367] {strides = array<i32>} : memref<3x16xf32, #tpu.memory_space<vmem>>, vector<1x16xf32>,
    %swap3A_1369 = vector.shape_cast %swap3A_1368 : vector<1x16xf32> to vector<16xf32>
    %swap3A_1370 = vector.shape_cast %add3A_1239 : vector<16xf32> to vector<1x16xf32>
    tpu.vector_store %arg19[%swap3A_1366, %swap3A_1367], %swap3A_1370 {strides = array<i32>} : memref<3x16xf32, #tpu.memory_space<vmem>>, vector<1x16xf32>,
    %swap3A_1371 = arith.constant 2 : i32
    %swap3A_1372 = arith.index_cast %swap3A_1371 : i32 to index
    %swap3A_1373 = arith.constant 0 : index
    %swap3A_1374 = tpu.vector_load %arg19[%swap3A_1372, %swap3A_1373] {strides = array<i32>} : memref<3x16xf32, #tpu.memory_space<vmem>>, vector<1x16xf32>,
    %swap3A_1375 = vector.shape_cast %swap3A_1374 : vector<1x16xf32> to vector<16xf32>
    %swap3A_1376 = vector.shape_cast %add3A_1358 : vector<16xf32> to vector<1x16xf32>
    tpu.vector_store %arg19[%swap3A_1372, %swap3A_1373], %swap3A_1376 {strides = array<i32>} : memref<3x16xf32, #tpu.memory_space<vmem>>, vector<1x16xf32>,
    "tpu.region"() ({
      %run_scoped3A = tpu.sem_alloc : memref<!tpu.dma_semaphore, #tpu.memory_space<semaphore_mem>>
      %dma_start3A_1377 = arith.constant 0 : i32
      %dma_start3A_1378 = arith.constant 0 : i32
      %dma_start3A_1379 = tpu.memref_slice %arg8[%add3A, %dma_start3A_1377, %dma_start3A_1378] : memref<32x3x16xf32, #tpu.memory_space<hbm>> -> memref<1x3x16xf32, #tpu.memory_space<hbm>>
      %dma_start3A_1380 = tpu.memref_squeeze %dma_start3A_1379 : memref<1x3x16xf32, #tpu.memory_space<hbm>> -> memref<3x16xf32, #tpu.memory_space<hbm>>
      %dma_start3A_1381 = arith.constant 0 : i32
      %dma_start3A_1382 = arith.constant 0 : i32
      %dma_start3A_1383 = tpu.memref_slice %arg8[%add3A, %dma_start3A_1381, %dma_start3A_1382] : memref<32x3x16xf32, #tpu.memory_space<hbm>> -> memref<1x3x16xf32, #tpu.memory_space<hbm>>
      %dma_start3A_1384 = tpu.memref_squeeze %dma_start3A_1383 : memref<1x3x16xf32, #tpu.memory_space<hbm>> -> memref<3x16xf32, #tpu.memory_space<hbm>>
      tpu.enqueue_dma source(%arg19 : memref<3x16xf32, #tpu.memory_space<vmem>>) target(%dma_start3A_1384 : memref<3x16xf32, #tpu.memory_space<hbm>>) target_semaphore(%run_scoped3A : memref<!tpu.dma_semaphore, #tpu.memory_space<semaphore_mem>>)
      %dma_wait3A_1385 = arith.constant 0 : i32
      %dma_wait3A_1386 = arith.constant 0 : i32
      %dma_wait3A_1387 = tpu.memref_slice %arg8[%add3A, %dma_wait3A_1385, %dma_wait3A_1386] : memref<32x3x16xf32, #tpu.memory_space<hbm>> -> memref<1x3x16xf32, #tpu.memory_space<hbm>>
      %dma_wait3A_1388 = tpu.memref_squeeze %dma_wait3A_1387 : memref<1x3x16xf32, #tpu.memory_space<hbm>> -> memref<3x16xf32, #tpu.memory_space<hbm>>
      %dma_wait3A_1389 = arith.constant 0 : i32
      %dma_wait3A_1390 = arith.constant 0 : i32
      %dma_wait3A_1391 = tpu.memref_slice %arg8[%add3A, %dma_wait3A_1389, %dma_wait3A_1390] : memref<32x3x16xf32, #tpu.memory_space<hbm>> -> memref<1x3x16xf32, #tpu.memory_space<hbm>>
      %dma_wait3A_1392 = tpu.memref_squeeze %dma_wait3A_1391 : memref<1x3x16xf32, #tpu.memory_space<hbm>> -> memref<3x16xf32, #tpu.memory_space<hbm>>
      tpu.wait_dma2 semaphore(%run_scoped3A : memref<!tpu.dma_semaphore, #tpu.memory_space<semaphore_mem>>) src(%arg19 : memref<3x16xf32, #tpu.memory_space<vmem>>) dst(%dma_wait3A_1392 : memref<3x16xf32, #tpu.memory_space<hbm>>)
      tpu.yield
    }) : () -> ()
    return
  }
}

module attributes {stable_mosaic.version = 14 : i64} {
  func.func @_tc_body(%arg0: i32, %arg1: memref<256x1500xf32, #tpu.memory_space<vmem>>, %arg2: memref<256x1500xf32, #tpu.memory_space<vmem>>, %arg3: memref<1x1xf32, #tpu.memory_space<smem>>, %arg4: memref<1x1500xf32, #tpu.memory_space<vmem>>, %arg5: memref<1500x1500xf32, #tpu.memory_space<vmem>>) attributes {dimension_semantics = [#tpu.dimension_semantics<arbitrary>], iteration_bounds = array<i64: 8>, scalar_prefetch = 0 : i64, scratch_operands = 0 : i64, tpu.core_type = #tpu.core_type<tc>, window_params = [{transform_indices = @transform_0, window_bounds = array<i64: 256, 1500>}, {transform_indices = @transform_1, window_bounds = array<i64: 256, 1500>}, {transform_indices = @transform_2, window_bounds = array<i64: 1, 1>}, {pipeline_mode = #tpu.pipeline_mode<synchronous>, transform_indices = @transform_3, window_bounds = array<i64: 1, 1500>}, {pipeline_mode = #tpu.pipeline_mode<synchronous>, transform_indices = @transform_4, window_bounds = array<i64: 1500, 1500>}]} {
    %get3A = arith.constant 0 : index
    %get3A_0 = arith.constant 0 : index
    %get3A_1 = vector.load %arg1[%get3A, %get3A_0] : memref<256x1500xf32, #tpu.memory_space<vmem>>, vector<256x1500xf32>
    %get3A_2 = arith.constant 0 : index
    %get3A_3 = arith.constant 0 : index
    %get3A_4 = vector.load %arg2[%get3A_2, %get3A_3] : memref<256x1500xf32, #tpu.memory_space<vmem>>, vector<256x1500xf32>
    %logistic3A = arith.negf %get3A_1 : vector<256x1500xf32>
    %logistic3A_5 = math.exp %logistic3A : vector<256x1500xf32>
    %logistic3A_6 = arith.constant 1.000000e+00 : f32
    %logistic3A_7 = vector.broadcast %logistic3A_6 : f32 to vector<256x1500xf32>
    %logistic3A_8 = arith.addf %logistic3A_7, %logistic3A_5 : vector<256x1500xf32>
    %logistic3A_9 = arith.divf %logistic3A_7, %logistic3A_8 : vector<256x1500xf32>
    %max3A = arith.constant 0.000000e+00 : f32
    %max3A_10 = vector.broadcast %max3A : f32 to vector<256x1500xf32>
    %max3A_11 = arith.maximumf %get3A_1, %max3A_10 : vector<256x1500xf32>
    %mul3A = arith.mulf %get3A_1, %get3A_4 : vector<256x1500xf32>
    %sub3A = arith.subf %max3A_11, %mul3A : vector<256x1500xf32>
    %abs3A = math.absf %get3A_1 : vector<256x1500xf32>
    %neg3A = arith.constant 0.000000e+00 : f32
    %neg3A_12 = vector.broadcast %neg3A : f32 to vector<256x1500xf32>
    %neg3A_13 = arith.subf %neg3A_12, %abs3A : vector<256x1500xf32>
    %exp3A = math.exp %neg3A_13 : vector<256x1500xf32>
    %log1p3A = math.log1p %exp3A : vector<256x1500xf32>
    %add3A = arith.addf %sub3A, %log1p3A : vector<256x1500xf32>
    %dot_general3A = arith.constant dense<0.000000e+00> : vector<1500x1500xf32>
    %dot_general3A_14 = tpu.matmul %logistic3A_9, %logistic3A_9, %dot_general3A {dimension_numbers = #tpu.dot_dimension_numbers<[0], [0], [1], [1], [0, 1, 1, 1], [], []>, precision = #tpu.contract_precision<fp32>, transpose_lhs_hint = false} : vector<256x1500xf32>, vector<256x1500xf32>, vector<1500x1500xf32> -> vector<1500x1500xf32>
    %eq3A = arith.constant 0 : i32
    %eq3A_15 = arith.cmpi eq, %arg0, %eq3A : i32
    %convert_element_type3A = arith.extui %eq3A_15 : i1 to i32
    %cond3A = arith.constant 0 : i32
    %cond3A_16 = arith.cmpi ne, %convert_element_type3A, %cond3A : i32
    scf.if %cond3A_16 {
      %swap3A_43 = arith.constant 0.000000e+00 : f32
      %swap3A_44 = arith.constant 0 : index
      %swap3A_45 = arith.constant 0 : index
      %swap3A_46 = memref.load %arg3[%swap3A_44, %swap3A_45] : memref<1x1xf32, #tpu.memory_space<smem>>
      memref.store %swap3A_43, %arg3[%swap3A_44, %swap3A_45] : memref<1x1xf32, #tpu.memory_space<smem>>
      %broadcast_in_dim3A_47 = arith.constant 0.000000e+00 : f32
      %broadcast_in_dim3A_48 = vector.broadcast %broadcast_in_dim3A_47 : f32 to vector<1x1500xf32>
      %swap3A_49 = arith.constant 0 : index
      %swap3A_50 = arith.constant 0 : index
      %swap3A_51 = vector.load %arg4[%swap3A_49, %swap3A_50] : memref<1x1500xf32, #tpu.memory_space<vmem>>, vector<1x1500xf32>
      tpu.vector_store %arg4[%swap3A_49, %swap3A_50], %broadcast_in_dim3A_48 {strides = array<i32>} : memref<1x1500xf32, #tpu.memory_space<vmem>>, vector<1x1500xf32>,
      %broadcast_in_dim3A_52 = arith.constant 0.000000e+00 : f32
      %broadcast_in_dim3A_53 = vector.broadcast %broadcast_in_dim3A_52 : f32 to vector<1500x1500xf32>
      %swap3A_54 = arith.constant 0 : index
      %swap3A_55 = arith.constant 0 : index
      %swap3A_56 = vector.load %arg5[%swap3A_54, %swap3A_55] : memref<1500x1500xf32, #tpu.memory_space<vmem>>, vector<1500x1500xf32>
      tpu.vector_store %arg5[%swap3A_54, %swap3A_55], %broadcast_in_dim3A_53 {strides = array<i32>} : memref<1500x1500xf32, #tpu.memory_space<vmem>>, vector<1500x1500xf32>,
    } else {
    }
    %get3A_17 = arith.constant 0 : index
    %get3A_18 = arith.constant 0 : index
    %get3A_19 = memref.load %arg3[%get3A_17, %get3A_18] : memref<1x1xf32, #tpu.memory_space<smem>>
    %reduce_sum3A = vector.shape_cast %add3A : vector<256x1500xf32> to vector<1x256x1500xf32>
    %reduce_sum3A_20 = arith.constant dense<0.000000e+00> : vector<1xf32>
    %reduce_sum3A_21 = vector.multi_reduction <add>, %reduce_sum3A, %reduce_sum3A_20 [1, 2] : vector<1x256x1500xf32> to vector<1xf32>
    %reduce_sum3A_22 = vector.shape_cast %reduce_sum3A_21 : vector<1xf32> to vector<1x1x1xf32>
    %reduce_sum3A_23 = vector.extract %reduce_sum3A_22[0, 0, 0] : f32 from vector<1x1x1xf32>
    %add3A_24 = arith.addf %get3A_19, %reduce_sum3A_23 : f32
    %swap3A = arith.constant 0 : index
    %swap3A_25 = arith.constant 0 : index
    %swap3A_26 = memref.load %arg3[%swap3A, %swap3A_25] : memref<1x1xf32, #tpu.memory_space<smem>>
    memref.store %add3A_24, %arg3[%swap3A, %swap3A_25] : memref<1x1xf32, #tpu.memory_space<smem>>
    %get3A_27 = arith.constant 0 : index
    %get3A_28 = arith.constant 0 : index
    %get3A_29 = vector.load %arg4[%get3A_27, %get3A_28] : memref<1x1500xf32, #tpu.memory_space<vmem>>, vector<1x1500xf32>
    %reduce_sum3A_30 = arith.constant dense<0.000000e+00> : vector<1500xf32>
    %reduce_sum3A_31 = vector.multi_reduction <add>, %logistic3A_9, %reduce_sum3A_30 [0] : vector<256x1500xf32> to vector<1500xf32>
    %broadcast_in_dim3A = vector.shape_cast %reduce_sum3A_31 : vector<1500xf32> to vector<1x1500xf32>
    %add3A_32 = arith.addf %get3A_29, %broadcast_in_dim3A : vector<1x1500xf32>
    %swap3A_33 = arith.constant 0 : index
    %swap3A_34 = arith.constant 0 : index
    %swap3A_35 = vector.load %arg4[%swap3A_33, %swap3A_34] : memref<1x1500xf32, #tpu.memory_space<vmem>>, vector<1x1500xf32>
    tpu.vector_store %arg4[%swap3A_33, %swap3A_34], %add3A_32 {strides = array<i32>} : memref<1x1500xf32, #tpu.memory_space<vmem>>, vector<1x1500xf32>,
    %get3A_36 = arith.constant 0 : index
    %get3A_37 = arith.constant 0 : index
    %get3A_38 = vector.load %arg5[%get3A_36, %get3A_37] : memref<1500x1500xf32, #tpu.memory_space<vmem>>, vector<1500x1500xf32>
    %add3A_39 = arith.addf %get3A_38, %dot_general3A_14 : vector<1500x1500xf32>
    %swap3A_40 = arith.constant 0 : index
    %swap3A_41 = arith.constant 0 : index
    %swap3A_42 = vector.load %arg5[%swap3A_40, %swap3A_41] : memref<1500x1500xf32, #tpu.memory_space<vmem>>, vector<1500x1500xf32>
    tpu.vector_store %arg5[%swap3A_40, %swap3A_41], %add3A_39 {strides = array<i32>} : memref<1500x1500xf32, #tpu.memory_space<vmem>>, vector<1500x1500xf32>,
    return
  }
  func.func @transform_0(%arg0: i32) -> (i32, i32) {
    %c0_i32 = arith.constant 0 : i32
    %c0_i32_0 = arith.constant 0 : i32
    return %arg0, %c0_i32 : i32, i32
  }
  func.func @transform_1(%arg0: i32) -> (i32, i32) {
    %c0_i32 = arith.constant 0 : i32
    %c0_i32_0 = arith.constant 0 : i32
    return %arg0, %c0_i32 : i32, i32
  }
  func.func @transform_2(%arg0: i32) -> (i32, i32) {
    %c0_i32 = arith.constant 0 : i32
    %c0_i32_0 = arith.constant 0 : i32
    %c0_i32_1 = arith.constant 0 : i32
    return %c0_i32, %c0_i32_0 : i32, i32
  }
  func.func @transform_3(%arg0: i32) -> (i32, i32) {
    %c0_i32 = arith.constant 0 : i32
    %c0_i32_0 = arith.constant 0 : i32
    %c0_i32_1 = arith.constant 0 : i32
    return %c0_i32, %c0_i32_0 : i32, i32
  }
  func.func @transform_4(%arg0: i32) -> (i32, i32) {
    %c0_i32 = arith.constant 0 : i32
    %c0_i32_0 = arith.constant 0 : i32
    %c0_i32_1 = arith.constant 0 : i32
    return %c0_i32, %c0_i32_0 : i32, i32
  }
}

</mosaic_0001>

<sc_bundles>
// kernel: kernel.4.cloned.1.call-start
scs
__scs_entry_jumppad:
0x0: {  	(pc) =	sbr.rel $0x88, $3  }
0x1: {  	(tag) =	ssettag $0x0;
	lr =	simm.s32 $0x1  }
0x2: {  	[smem:$0x3F9B] =	sst lr;
	_ =	strace $0xD0000000  }
0x3: {  	_ = 	snop  }
0x4: {  	_ = 	snop  }
0x5: {  	_ = 	snop  }
0x6: {  	_ = 	snop  }
0x7: {  	_ = 	snop  }
__scs_overlays_trampoline_lowered:
0x8: {  	[smem:$0x3FAA] =	sst s0  }
0x9: {  	[smem:$0x3FAB] =	sst s1  }
0xa: {  	[smem:$0x3FAC] =	sst s2  }
0xb: {  	[smem:$0x3FAD] =	sst s3  }
0xc: {  	[smem:$0x3FAE] =	sst s4  }
0xd: {  	[smem:$0x3FAF] =	sst s5  }
0xe: {  	[smem:$0x3FB0] =	sst s6  }
0xf: {  	[smem:$0x3FB1] =	sst s7  }
0x10: {  	[smem:$0x3FB2] =	sst s8  }
0x11: {  	[smem:$0x3FB3] =	sst s9;
	s0 =	simm.s32 @!p0 $0x0  }
0x12: {  	s1 =	sld [smem:$0x3F99];
	s0 =	simm.s32 @p0 $0x1  }
0x13: {  	[smem:$0x3FB4] =	sst s0;
	s0 =	simm.s32 @!p1 $0x0  }
0x14: {  	s2 =	sld [smem:$0x3F98];
	s0 =	simm.s32 @p1 $0x1  }
0x15: {  	[smem:$0x3FB5] =	sst s0;
	s0 =	simm.s32 @!p2 $0x0  }
0x16: {  	s3 =	sld [smem:$0x3FDB];
	s0 =	simm.s32 @p2 $0x1  }
0x17: {  	s4 =	simm.s32 $0x1BF5;
	[smem:$0x3FB7] =	sst s0  }
0x18: {  	s0 =	sld [smem:$0x3F9A];
	_ =	swait.ge [sflag:s4], $0x0  }
0x19: {  	s7 =	sld [smem:$0x3F9B]  }
0x1a: {  	s8 =	sadd.s32 $0xFFFFE003, lr  }
0x1b: {  	s9 =	sadd.s32 $0xFFFFFEF7, lr;
	s5 =	simm.s32 $0xFFFFFFFF;
	p2 =	slt.u32 s8, $0xFFFFF086  }
0x1c: {  	p1 =	slt.u32 s9, $0xF7A;
	s5 =	simm.s32 @!p2 $0x0  }
0x1d: {  	s5 =	simm.s32 @p1 $0x1;
	p0 =	seq.s32 s7, s2  }
0x1e: {  	s7 =	smul.u32 @!p0 $0xF7A, s2;
	p2 =	seq.s32 @!p0 s5, $0x0  }
0x1f: {  	s9 =	smul.u32 $0xF7A, s1;
	s8 =	simm.s32 @!p0 $0x1BF5;
	p2 =	por !p2, p0  }
0x20: {  	[sflag:s8] =	ssyncset.s32 @!p0 $0xFFFFF086;
	s6 =	sadd.s32 @!p0 s3, s7;
	s7 =	simm.s32 @!p0 $0x108  }
0x21: {  	s3 =	sadd.s32 s3, s9;
	s6 =	sadd.s32 @!p0 $0x88, s6;
	s7 =	simm.s32 @p2 $0x1082  }
0x22: {  	[simem:s7], [sflag:s8] =	dma.local @!p0 [hbm:s6], $0xF7A  }
0x23: {  	s9 =	sor.u32 $0xD0000000, s2;
	s6 =	simm.s32 $0x108;
	_ =	swait.ge @!p0 [sflag:s8], $0x0  }
0x24: {  	s3 =	sadd.s32 $0x88, s3;
	s6 =	simm.s32 @!p1 $0x1082;
	[sflag:s4] =	ssyncset.s32 $0xFFFFF086  }
0x25: {  	[simem:s6], [sflag:s4] =	dma.local [hbm:s3], $0xF7A  }
0x26: {  	[smem:$0x3F9B] =	sst s1;
	(tag) =	ssettag s2;
	_ =	strace s9  }
0x27: {  	s1 =	sld [smem:$0x3FAB]  }
0x28: {  	s2 =	sld [smem:$0x3FAC]  }
0x29: {  	s4 =	sld [smem:$0x3FAE]  }
0x2a: {  	p0 =	seq.s32 s5, $0x0;
	s5 =	sld [smem:$0x3FAF]  }
0x2b: {  	s6 =	sld [smem:$0x3FB0]  }
0x2c: {  	s7 =	sld [smem:$0x3FB1]  }
0x2d: {  	s3 =	simm.s32 $0x108;
	s8 =	sld [smem:$0x3FB2]  }
0x2e: {  	s3 =	simm.s32 @!p0 $0x1082;
	s9 =	sld [smem:$0x3FB3]  }
0x2f: {  	lr =	sadd.s32 s0, s3;
	s0 =	sld [smem:$0x3FAA]  }
0x30: {  	s3 =	sld [smem:$0x3FAD]  }
0x31: {  	[smem:$0x3FB6] =	sst s10  }
0x32: {  	s10 =	sld [smem:$0x3FB4];
	_ =	sdelay $0x3  }
0x33: {  	p0 =	seq.s32 s10, $0x1;
	s10 =	sld [smem:$0x3FB6];
	_ =	sdelay $0x3  }
0x34: {  	[smem:$0x3FB6] =	sst s10  }
0x35: {  	s10 =	sld [smem:$0x3FB5];
	_ =	sdelay $0x3  }
0x36: {  	p1 =	seq.s32 s10, $0x1;
	s10 =	sld [smem:$0x3FB6];
	_ =	sdelay $0x3  }
0x37: {  	[smem:$0x3FB6] =	sst s10  }
0x38: {  	s10 =	sld [smem:$0x3FB7]  }
0x39: {  	_ = 	snop;
	(pc) =	sbr.ind lr, $3  }
0x3a: {  	_ = 	snop  }
0x3b: {  	_ = 	snop  }
0x3c: {  	p2 =	seq.s32 s10, $0x1;
	s10 =	sld [smem:$0x3FB6]  }
0x3d: {  	_ =	shalt  }
0x3e: {  	_ =	shalt  }
0x3f: {  	_ =	shalt  }
0x40: {  	_ =	shalt  }
0x41: {  	_ =	shalt  }
0x42: {  	_ =	shalt  }
0x43: {  	_ =	shalt  }
0x44: {  	_ =	shalt  }
0x45: {  	_ =	shalt  }
0x46: {  	_ =	shalt  }
0x47: {  	_ =	shalt  }
0x48: {  	_ =	shalt  }
0x49: {  	_ =	shalt  }
0x4a: {  	_ =	shalt  }
0x4b: {  	_ =	shalt  }
0x4c: {  	_ =	shalt  }
0x4d: {  	_ =	shalt  }
0x4e: {  	_ =	shalt  }
0x4f: {  	_ =	shalt  }
0x50: {  	_ =	shalt  }
0x51: {  	_ =	shalt  }
0x52: {  	_ =	shalt  }
0x53: {  	_ =	shalt  }
0x54: {  	_ =	shalt  }
0x55: {  	_ =	shalt  }
0x56: {  	_ =	shalt  }
0x57: {  	_ =	shalt  }
0x58: {  	_ =	shalt  }
0x59: {  	_ =	shalt  }
0x5a: {  	_ =	shalt  }
0x5b: {  	_ =	shalt  }
0x5c: {  	_ =	shalt  }
0x5d: {  	_ =	shalt  }
0x5e: {  	_ =	shalt  }
0x5f: {  	_ =	shalt  }
0x60: {  	_ =	shalt  }
0x61: {  	_ =	shalt  }
0x62: {  	_ =	shalt  }
0x63: {  	_ =	shalt  }
0x64: {  	_ =	shalt  }
0x65: {  	_ =	shalt  }
0x66: {  	_ =	shalt  }
0x67: {  	_ =	shalt  }
0x68: {  	_ =	shalt  }
0x69: {  	_ =	shalt  }
0x6a: {  	_ =	shalt  }
0x6b: {  	_ =	shalt  }
0x6c: {  	_ =	shalt  }
0x6d: {  	_ =	shalt  }
0x6e: {  	_ =	shalt  }
0x6f: {  	_ =	shalt  }
0x70: {  	_ =	shalt  }
0x71: {  	_ =	shalt  }
0x72: {  	_ =	shalt  }
0x73: {  	_ =	shalt  }
0x74: {  	_ =	shalt  }
0x75: {  	_ =	shalt  }
0x76: {  	_ =	shalt  }
0x77: {  	_ =	shalt  }
0x78: {  	_ =	shalt  }
0x79: {  	_ =	shalt  }
0x7a: {  	_ =	shalt  }
0x7b: {  	_ =	shalt  }
0x7c: {  	_ =	shalt  }
0x7d: {  	_ =	shalt  }
0x7e: {  	_ =	shalt  }
0x7f: {  	_ =	shalt  }
0x80: {  	_ =	shalt  }
0x81: {  	_ =	shalt  }
0x82: {  	_ =	shalt  }
0x83: {  	_ =	shalt  }
0x84: {  	_ =	shalt  }
0x85: {  	_ =	shalt  }
0x86: {  	_ =	shalt  }
0x87: {  	_ =	shalt  }
.Lfunc_end0:
.L_simem_size_0:
called_computation_lowered:
.L_overlay_start_0:
0x88: {  	s2 =	sld [smem:$0x3FD9]  }
0x89: {  	s3 =	sld [smem:$0x3FFE];
	_ =	sdelay $0x1  }
0x8a: {  	s1 =	srdreg.scid  }
0x8b: {  	s0 =	sand.u32 $0x1, s1  }
0x8c: {  	s16 =	sshll.u32 s0, $0xA;
	s2 =	sadd.s32 s3, s2  }
0x8d: {  	s2 =	sadd.s32 s2, s16  }
0x8e: {  	[smem:$0x3FC2] =	sst s2  }
0x8f: {  	_ = 	snop  }
0x90: {  	(tm) =	ssettm $0x1  }
0x91: {  	s17 =	sld [smem:$0x3FFB];
	_ =	sdelay $0x3  }
0x92: {  	_ =	strace s17  }
0x93: {  	s2 =	sld [smem:$0x3FFC];
	_ =	sdelay $0x3  }
0x94: {  	_ =	strace s2  }
0x95: {  	s2 =	sld [smem:$0x3FFD];
	_ =	sdelay $0x3  }
0x96: {  	_ =	strace s2  }
0x97: {  	_ =	strace $0x8FFFFFFF  }
0x98: {  	s18 =	sld [smem:$0x3FDB];
	_ =	sdelay $0x1  }
0x99: {  	s19 =	simm.s32 $_scs_section_size  }
0x9a: {  	s4 =	simm.s32 $_size__tile_overlayer_lowered;
	s5 =	simm.s32 $_tile_overlayer_lowered  }
0x9b: {  	s22 =	simm.s32 $0x1BFF;
	s21 =	sshll.u32 s5, $0x1;
	s2 =	sadd.s32 s19, s18  }
0x9c: {  	s6 =	simm.s32 $0x0;
	s20 =	sshll.u32 s4, $0x1;
	s4 =	sadd.s32 s21, s2  }
0x9d: {  	[timem:s6], [sflag:s22] =	dma.local [hbm:s4], s20  }
0x9e: {  	_ =	swait.ge [sflag:s22], s20  }
0x9f: {  	s3 =	ssub.s32 $0x0, s20;
	[sflag:s22] =	ssyncset.done $0x0  }
0xa0: {  	[sflag:s22] =	ssyncadd.s32 s3;
	_ =	sdelay $0x1  }
0xa1: {  	s23 =	simm.s32 $0x1B8B  }
0xa2: {  	_ =	swait.ge [sflag:s23], $0x1  }
0xa3: {  	[sflag:s23] =	ssyncset.done $0x0  }
0xa4: {  	s25 =	simm.s32 $0x1B8E;
	s24 =	sld [smem:$0x3FFE];
	[sflag:s23] =	ssyncadd.s32 $0xFFFFFFFF  }
0xa5: {  	s26 =	simm.s32 $execute0_lowered;
	[smem:$0x3FD2] =	sst s25  }
0xa6: {  	s4 =	sshll.u32 s26, $0x1;
	_ =	strace $0x80000046;
	[dreg:$0x1] =	wrdreg $0xFFFFFFFF  }
0xa7: {  	s28 =	simm.s32 $_size_execute0_lowered;
	s2 =	sadd.s32 s2, s4;
	[dreg:$0x0] =	wrdreg $0x0  }
0xa8: {  	s4 =	sshll.u32 s28, $0x1;
	[dreg:$0x2] =	wrdreg s2  }
0xa9: {  	[dreg:$0x3] =	wrdreg s4  }
0xaa: {  	[dreg:$0x4] =	wrdreg $0xC0  }
0xab: {  	_ =	task [dreg:s6], $0x5FFFF  }
0xac: {  	[dreg:$0x1] =	wrdreg $0xFFFFFFFF  }
0xad: {  	[dreg:$0x0] =	wrdreg $0x60  }
0xae: {  	[dreg:$0x2] =	wrdreg s24  }
0xaf: {  	[dreg:$0x3] =	wrdreg $0x9  }
0xb0: {  	_ =	task.clear_ibuf [dreg:s6], $0x4FFFF;
	_ =	strace $0x90000046  }
0xb1: {  	s29 =	simm.s32 $0x9;
	_ =	strace $0x80000048  }
0xb2: {  	_ =	swait.ge [sflag:s29], $0x1  }
0xb3: {  	[sflag:s29] =	ssyncadd.s32 $0xFFFFFFFF  }
0xb4: {  	_ =	strace $0x90000048  }
0xb5: {  	_ =	sfence  }
0xb6: {  	s30 =	sld [smem:$0x0];
	_ =	sdelay $0x2  }
0xb7: {  	s31 =	sshll.u32 s1, $0xD;
	s1 =	sshrl.u32 s1, $0x2  }
0xb8: {  	s3 =	sand.u32 $0x4000, s31;
	s1 =	sadd.s32 s1, s30  }
0xb9: {  	s0 =	sor.u32 s3, s0;
	s1 =	sshll.u32 s1, $0x11  }
0xba: {  	s0 =	sor.u32 s1, s0  }
0xbb: {  	s0 =	sadd.s32 $0x8F2B, s0  }
0xbc: {  	[sflag:s0] =	ssyncadd.remote.s32 $0x1  }
0xbd: {  	_ =	sfence.sel $0xFFFF  }
0xbe: {  	[dreg:$0x0] =	wrdreg $0xFFFFFFFF;
	(pc) =	sbr.abs _section_cstart, $3  }
0xbf: {  	[dreg:$0x1] =	wrdreg $0xFFFFFFFF  }
0xc0: {  	_ =	task.clear_ibuf [dreg:s6], $0x2FFFF;
	_ =	strace $0x9FFFFFFF  }
0xc1: {  	(tm) =	ssettm $0x7FFFFFFF  }
tec
execute0_lowered:
.L_overlay_start_1:
0x0: {  	(tag) =	ssettag $0x1  }
0x1: {  	s1 =	srdreg.scid  }
0x2: {  	s0 =	stileid.u32;
	s5 =	rddreg [dreg:$0x0]  }
0x3: {  	s2 =	simm.s32 $0x0;
	s6 =	sand.u32 $0x1, s1;
	s3 =	sshll.u32 s0, $0x1  }
0x4: {  	[smem:$0x7FF] =	sst s2;
	s4 =	sadd.s32 $0x46400, s5;
	s7 =	sor.u32 s6, s3  }
0x5: {  	_ =	strace $0x80000047;
	s3 =	sadd.s32 $0x800, s5;
	s6 =	ssub.s32 $0x2, s6  }
0x6: {  	s8 =	smul.u32 $0x180, s7;
	s10 =	sshll.u32 s7, $0x4;
	s11 =	sshll.u32 s7, $0x6  }
0x7: {  	s12 =	sshrl.u32 s6, $0x1;
	s13 =	sshll.u32 s7, $0x7;
	s10 =	sadd.s32 s10, s5  }
0x8: {  	s11 =	sadd.s32 s11, s5;
	s12 =	ssub.s32 s6, s12;
	s29 =	sor.u32 $0x20, s13  }
0x9: {  	s30 =	sor.u32 $0x30, s13;
	s31 =	sor.u32 $0x40, s13;
	s9 =	sshrl.u32 s8, $0x3  }
0xa: {  	s6 =	sadd.s32 $0x46000, s10;
	s7 =	sadd.s32 $0x46200, s10;
	s20 =	sor.u32 $0x10, s8  }
0xb: {  	s21 =	sor.u32 $0x20, s8;
	s22 =	sor.u32 $0x30, s8;
	s23 =	sor.u32 $0x40, s8  }
0xc: {  	s24 =	sor.u32 $0x50, s8;
	s25 =	sor.u32 $0x60, s8;
	p0 =	slt.u32 s20, $0x2710  }
0xd: {  	s26 =	sor.u32 $0x70, s8;
	s1 =	sadd.s32 $0x90, s8;
	s0 =	simm.s32 @!p0 $0x0  }
0xe: {  	s14 =	sadd.s32 $0xA0, s8;
	s0 =	simm.s32 @p0 $0x1;
	p0 =	slt.u32 s21, $0x2710  }
0xf: {  	s15 =	sadd.s32 $0xB0, s8;
	[smem:$0x7E5] =	sst s0;
	s0 =	simm.s32 @!p0 $0x0  }
0x10: {  	s16 =	sadd.s32 $0xC0, s8;
	s0 =	simm.s32 @p0 $0x1;
	p0 =	slt.u32 s22, $0x2710  }
0x11: {  	s17 =	sadd.s32 $0xD0, s8;
	[smem:$0x7E6] =	sst s0;
	s0 =	simm.s32 @!p0 $0x0  }
0x12: {  	s18 =	sadd.s32 $0xE0, s8;
	s0 =	simm.s32 @p0 $0x1;
	p0 =	slt.u32 s23, $0x2710  }
0x13: {  	s28 =	sadd.s32 $0x170, s8;
	[smem:$0x7E7] =	sst s0;
	s0 =	simm.s32 @!p0 $0x0  }
0x14: {  	p3 =	slt.u32 s29, $0xFA0;
	s0 =	simm.s32 @p0 $0x1;
	p0 =	slt.u32 s24, $0x2710  }
0x15: {  	s29 =	simm.s32 $0xB80;
	[smem:$0x7E8] =	sst s0;
	s0 =	simm.s32 @!p0 $0x0  }
0x16: {  	s9 =	sadd.s32 s9, s5;
	s0 =	simm.s32 @p0 $0x1;
	p0 =	slt.u32 s25, $0x2710  }
0x17: {  	s20 =	sadd.s32 $0x100, s8;
	[smem:$0x7E9] =	sst s0;
	s0 =	simm.s32 @!p0 $0x0  }
0x18: {  	p2 =	slt.u32 s28, $0x2710;
	s0 =	simm.s32 @p0 $0x1;
	p0 =	slt.u32 s26, $0x2710  }
0x19: {  	s28 =	simm.s32 $0x800;
	[smem:$0x7EA] =	sst s0;
	s0 =	simm.s32 @!p0 $0x0  }
0x1a: {  	s19 =	sadd.s32 $0x45400, s9;
	s5 =	sadd.s32 $0x45A00, s9;
	s0 =	simm.s32 @p0 $0x1  }
0x1b: {  	s9 =	smax.u32 s12, $0x1;
	[smem:$0x7EB] =	sst s0;
	s0 =	sadd.s32 $0x80, s8  }
0x1c: {  	[dreg:$0x2] =	wrdreg s19;
	s19 =	sadd.s32 $0xF0, s8;
	p0 =	slt.u32 s0, $0x2710  }
0x1d: {  	s21 =	sadd.s32 $0x110, s8;
	s22 =	sadd.s32 $0x120, s8;
	s0 =	simm.s32 @!p0 $0x0  }
0x1e: {  	s23 =	sadd.s32 $0x130, s8;
	s0 =	simm.s32 @p0 $0x1;
	p0 =	slt.u32 s8, $0x2710  }
0x1f: {  	p5 =	slt.u32 s23, $0x2710;
	[smem:$0x7EC] =	sst s0;
	s0 =	simm.s32 @!p0 $0x0  }
0x20: {  	s23 =	simm.s32 $0x500;
	s0 =	simm.s32 @p0 $0x1;
	p0 =	slt.u32 s1, $0x2710  }
0x21: {  	s24 =	sadd.s32 $0x140, s8;
	[smem:$0x7ED] =	sst s0;
	s0 =	simm.s32 @!p0 $0x0  }
0x22: {  	p6 =	slt.u32 s24, $0x2710;
	s0 =	simm.s32 @p0 $0x1;
	p0 =	slt.u32 s14, $0x2710  }
0x23: {  	s24 =	simm.s32 $0x980;
	[smem:$0x7EE] =	sst s0;
	s0 =	simm.s32 @!p0 $0x0  }
0x24: {  	s25 =	sadd.s32 $0x150, s8;
	s0 =	simm.s32 @p0 $0x1;
	p0 =	slt.u32 s15, $0x2710  }
0x25: {  	s26 =	sadd.s32 $0x160, s8;
	[smem:$0x7EF] =	sst s0;
	s0 =	simm.s32 @!p0 $0x0  }
0x26: {  	p1 =	slt.u32 s26, $0x2710;
	s0 =	simm.s32 @p0 $0x1;
	p0 =	slt.u32 s16, $0x2710  }
0x27: {  	s8 =	sadd.s32 $0x46600, s11;
	[smem:$0x7F0] =	sst s0;
	s0 =	simm.s32 @!p0 $0x0  }
0x28: {  	s1 =	sor.u32 $0x50, s13;
	s15 =	simm.s32 $0x400;
	s0 =	simm.s32 @p0 $0x1  }
0x29: {  	p0 =	slt.u32 s17, $0x2710;
	s17 =	sor.u32 $0x70, s13;
	[smem:$0x7F1] =	sst s0  }
0x2a: {  	s16 =	simm.s32 $0x880;
	s0 =	simm.s32 @!p0 $0x0;
	[dreg:$0x3] =	wrdreg s17  }
0x2b: {  	s17 =	simm.s32 $0x600;
	s0 =	simm.s32 @p0 $0x1;
	p0 =	slt.u32 s18, $0x2710  }
0x2c: {  	s18 =	simm.s32 $0xA00;
	s26 =	rddreg [dreg:$0x3];
	s10 =	simm.s32 @!p0 $0x0  }
0x2d: {  	[smem:$0x7F2] =	sst s0;
	s10 =	simm.s32 @p0 $0x1;
	p0 =	slt.u32 s19, $0x2710  }
0x2e: {  	s0 =	sor.u32 $0x60, s13;
	s19 =	simm.s32 $0x480;
	s11 =	simm.s32 @!p0 $0x0  }
0x2f: {  	[smem:$0x7F3] =	sst s10;
	s10 =	simm.s32 $0x2;
	s11 =	simm.s32 @p0 $0x1  }
0x30: {  	p0 =	slt.u32 s20, $0x2710;
	s20 =	simm.s32 @!p3 $0x0;
	[smem:$0x7F4] =	sst s11  }
0x31: {  	s11 =	simm.s32 $0x180;
	s12 =	simm.s32 @!p0 $0x0;
	s20 =	simm.s32 @p3 $0x1  }
0x32: {  	p3 =	slt.u32 s30, $0xFA0;
	s30 =	simm.s32 $0x1;
	s12 =	simm.s32 @p0 $0x1  }
0x33: {  	p0 =	slt.u32 s21, $0x2710;
	[smem:$0x7F8] =	sst s20;
	s20 =	simm.s32 $0x900  }
0x34: {  	s21 =	simm.s32 @!p3 $0x0;
	[smem:$0x7F5] =	sst s12;
	s12 =	simm.s32 $0x300  }
0x35: {  	s13 =	simm.s32 @!p0 $0x0;
	s21 =	simm.s32 @p3 $0x1;
	p3 =	slt.u32 s31, $0xFA0  }
0x36: {  	s31 =	simm.s32 $0xC00;
	s13 =	simm.s32 @p0 $0x1;
	p0 =	slt.u32 s22, $0x2710  }
0x37: {  	[smem:$0x7F9] =	sst s21;
	s21 =	simm.s32 $0x680;
	s22 =	simm.s32 @!p3 $0x0  }
0x38: {  	[smem:$0x7F6] =	sst s13;
	s22 =	simm.s32 @p3 $0x1;
	p3 =	slt.u32 s1, $0xFA0  }
0x39: {  	s13 =	simm.s32 $0x380;
	s14 =	simm.s32 @!p0 $0x0;
	s1 =	simm.s32 @!p3 $0x0  }
0x3a: {  	s14 =	simm.s32 @p0 $0x1;
	s1 =	simm.s32 @p3 $0x1;
	p3 =	slt.u32 s0, $0xFA0  }
0x3b: {  	p0 =	slt.u32 s25, $0x2710;
	[smem:$0x7FA] =	sst s22;
	s0 =	simm.s32 @!p3 $0x0  }
0x3c: {  	[smem:$0x7F7] =	sst s14;
	s0 =	simm.s32 @p3 $0x1;
	p3 =	slt.u32 s26, $0xFA0  }
0x3d: {  	s22 =	simm.s32 $0xA80;
	[smem:$0x7FC] =	sst s0;
	s0 =	simm.s32 @!p3 $0x0  }
0x3e: {  	s25 =	simm.s32 $0x700;
	[smem:$0x7FB] =	sst s1;
	s0 =	simm.s32 @p3 $0x1  }
0x3f: {  	s14 =	simm.s32 $0x80;
	s26 =	simm.s32 $0xB00;
	[smem:$0x7FD] =	sst s0  }
.LBB2_1:
0x40: {  	s0 =	rddreg [dreg:$0x2]  }
0x41: {  	[tilespmem:s2], [sflag:$0x2] =	stream.linear.gather [hbm4b:s0+s2], $0x180, $0x38;
	[tilespmem:$0xE00] =	vst v63  }
0x42: {  	_ =	swait.ge [sflag:s10], $0x180  }
0x43: {  	[sflag:s10] =	ssyncset.done $0x0  }
0x44: {  	[sflag:s10] =	ssyncadd.s32 $0xFFFFFE80  }
0x45: {  	[tilespmem:s11], [sflag:$0x2] =	stream.linear.gather [hbm4b:s5+s2], $0x180, $0x38;
	[tilespmem:$0xE00] =	vst v63  }
0x46: {  	_ =	swait.ge [sflag:s10], $0x180  }
0x47: {  	[sflag:s10] =	ssyncset.done $0x0  }
0x48: {  	[sflag:s10] =	ssyncadd.s32 $0xFFFFFE80  }
0x49: {  	[tilespmem:s12], [sflag:$0x2] =	stream.linear.gather [hbm4b:s6+s2], $0x80, $0x38;
	[tilespmem:$0xE00] =	vst v63  }
0x4a: {  	_ =	swait.ge [sflag:s10], $0x80  }
0x4b: {  	[sflag:s10] =	ssyncset.done $0x0  }
0x4c: {  	[sflag:s10] =	ssyncadd.s32 $0xFFFFFF80  }
0x4d: {  	[tilespmem:s13], [sflag:$0x2] =	stream.linear.gather [hbm4b:s7+s2], $0x80, $0x38;
	[tilespmem:$0xE00] =	vst v63  }
0x4e: {  	_ =	swait.ge [sflag:s10], $0x80  }
0x4f: {  	[sflag:s10] =	ssyncset.done $0x0  }
0x50: {  	[sflag:s10] =	ssyncadd.s32 $0xFFFFFF80  }
0x51: {  	v0 =	vld [tilespmem:$0x0]  }
0x52: {  	v1 =	vld [tilespmem:$0x180]  }
0x53: {  	v2 =	vld [tilespmem:$0x10]  }
0x54: {  	v3 =	vld [tilespmem:$0x190]  }
0x55: {  	v4 =	vld [tilespmem:$0x20]  }
0x56: {  	v5 =	vld [tilespmem:$0x1A0]  }
0x57: {  	v6 =	vld [tilespmem:$0x30]  }
0x58: {  	v7 =	vld [tilespmem:$0x1B0]  }
0x59: {  	v8 =	vld [tilespmem:$0x40]  }
0x5a: {  	v9 =	vld [tilespmem:$0x1C0]  }
0x5b: {  	v10 =	vld [tilespmem:$0x50]  }
0x5c: {  	v12 =	vld [tilespmem:$0x1D0]  }
0x5d: {  	v13 =	vld [tilespmem:$0x60]  }
0x5e: {  	v14 =	vld [tilespmem:$0x1E0]  }
0x5f: {  	v32 =	vld [tilespmem:$0x70];
	[tilespmem:$0x600] =	vst v0  }
0x60: {  	v35 =	vld [tilespmem:$0x1F0];
	[tilespmem:$0x610] =	vst v2  }
0x61: {  	v36 =	vld [tilespmem:$0x80];
	[tilespmem:$0x620] =	vst v4  }
0x62: {  	v39 =	vld [tilespmem:$0x200];
	[tilespmem:$0x630] =	vst v6  }
0x63: {  	v40 =	vld [tilespmem:$0x90];
	[tilespmem:$0x640] =	vst v8  }
0x64: {  	v43 =	vld [tilespmem:$0xA0];
	[tilespmem:$0x650] =	vst v10  }
0x65: {  	v46 =	vld [tilespmem:$0xB0];
	[tilespmem:$0x660] =	vst v13  }
0x66: {  	v49 =	vld [tilespmem:$0xC0];
	[tilespmem:$0x670] =	vst v32  }
0x67: {  	v52 =	vld [tilespmem:$0xD0];
	[tilespmem:$0x680] =	vst v36  }
0x68: {  	v55 =	vld [tilespmem:$0xE0];
	[tilespmem:$0x690] =	vst v40  }
0x69: {  	v59 =	vld [tilespmem:$0xF0];
	[tilespmem:$0x6A0] =	vst v43  }
0x6a: {  	v63 =	vld [tilespmem:$0x100];
	[tilespmem:$0x6B0] =	vst v46  }
0x6b: {  	v18 =	vld [tilespmem:$0x110];
	[tilespmem:$0x6C0] =	vst v49  }
0x6c: {  	v22 =	vld [tilespmem:$0x120];
	[tilespmem:$0x6D0] =	vst v52  }
0x6d: {  	v26 =	vld [tilespmem:$0x130];
	[tilespmem:$0x6E0] =	vst v55  }
0x6e: {  	v29 =	vld [tilespmem:$0x140];
	[tilespmem:$0x6F0] =	vst v59  }
0x6f: {  	v42 =	vld [tilespmem:$0x210];
	[tilespmem:$0x700] =	vst v63  }
0x70: {  	v45 =	vld [tilespmem:$0x220];
	[tilespmem:$0x710] =	vst v18  }
0x71: {  	v48 =	vld [tilespmem:$0x230];
	v11 =	vmul.u32 $0x5DC, v0;
	[tilespmem:$0x720] =	vst v22  }
0x72: {  	v51 =	vld [tilespmem:$0x240];
	v31 =	vmul.u32 $0x5DC, v2;
	[tilespmem:$0x730] =	vst v26  }
0x73: {  	v54 =	vld [tilespmem:$0x250];
	v34 =	vmul.u32 $0x5DC, v4;
	[tilespmem:$0x740] =	vst v29;
	v1 =	vadd.s32 v1, v11  }
0x74: {  	v58 =	vld [tilespmem:$0x260];
	v38 =	vmul.u32 $0x5DC, v6;
	v33 =	vadd.s32 v3, v31;
	[tilespmem:$0x400] =	vst v1  }
0x75: {  	v62 =	vld [tilespmem:$0x270];
	v41 =	vmul.u32 $0x5DC, v8;
	v37 =	vadd.s32 v5, v34;
	[tilespmem:$0x410] =	vst v33  }
0x76: {  	v17 =	vld [tilespmem:$0x280];
	v44 =	vmul.u32 $0x5DC, v10;
	v3 =	vadd.s32 v7, v38;
	[tilespmem:$0x420] =	vst v37  }
0x77: {  	v21 =	vld [tilespmem:$0x290];
	v47 =	vmul.u32 $0x5DC, v13;
	v4 =	vadd.s32 v9, v41;
	[tilespmem:$0x430] =	vst v3  }
0x78: {  	v25 =	vld [tilespmem:$0x2A0];
	v50 =	vmul.u32 $0x5DC, v32;
	v6 =	vadd.s32 v12, v44;
	[tilespmem:$0x440] =	vst v4  }
0x79: {  	v28 =	vld [tilespmem:$0x2B0];
	v53 =	vmul.u32 $0x5DC, v36;
	v8 =	vadd.s32 v14, v47;
	[tilespmem:$0x450] =	vst v6  }
0x7a: {  	v57 =	vmul.u32 $0x5DC, v40;
	v32 =	vld [tilespmem:$0x150];
	v10 =	vadd.s32 v35, v50;
	[tilespmem:$0x460] =	vst v8  }
0x7b: {  	v61 =	vmul.u32 $0x5DC, v43;
	v43 =	vld [tilespmem:$0x300];
	v56 =	vadd.s32 v39, v53;
	[tilespmem:$0x470] =	vst v10  }
0x7c: {  	v16 =	vmul.u32 $0x5DC, v46;
	v46 =	vld [tilespmem:$0x380];
	v60 =	vadd.s32 v42, v57;
	[tilespmem:$0x480] =	vst v56  }
0x7d: {  	v20 =	vmul.u32 $0x5DC, v49;
	v27 =	vmul.u32 $0x5DC, v55;
	v55 =	vld [tilespmem:$0x330];
	v15 =	vadd.s32 v45, v61;
	[tilespmem:$0x490] =	vst v60  }
0x7e: {  	v24 =	vmul.u32 $0x5DC, v52;
	v30 =	vmul.u32 $0x5DC, v59;
	v59 =	vld [tilespmem:$0x340];
	v19 =	vadd.s32 v48, v16;
	[tilespmem:$0x4A0] =	vst v15  }
0x7f: {  	v23 =	vadd.s32 v51, v20;
	v31 =	vld [tilespmem:$0x2C0];
	[tilespmem:$0x4B0] =	vst v19  }
0x80: {  	v5 =	vadd.s32 v54, v24;
	v34 =	vld [tilespmem:$0x2D0];
	[tilespmem:$0x4C0] =	vst v23  }
0x81: {  	v7 =	vadd.s32 v62, v30;
	v35 =	vld [tilespmem:$0x160];
	v41 =	vmul.u32 $0x5DC, v22;
	[tilespmem:$0x4D0] =	vst v5  }
0x82: {  	v38 =	vld [tilespmem:$0x2E0];
	v45 =	vmul.u32 $0x5DC, v26;
	v6 =	vadd.s32 v58, v27;
	[tilespmem:$0x4F0] =	vst v7  }
0x83: {  	v39 =	vld [tilespmem:$0x170];
	[tilespmem:$0x4E0] =	vst v6;
	v44 =	vadd.s32 v25, v41  }
0x84: {  	v42 =	vld [tilespmem:$0x2F0];
	v33 =	vmul.u32 $0x5DC, v63;
	v48 =	vadd.s32 v28, v45;
	[tilespmem:$0x520] =	vst v44  }
0x85: {  	v47 =	vld [tilespmem:$0x310];
	v37 =	vmul.u32 $0x5DC, v18;
	[tilespmem:$0x530] =	vst v48  }
0x86: {  	v50 =	vld [tilespmem:$0x390];
	v36 =	vadd.s32 v17, v33;
	[tilespmem:$0x750] =	vst v32  }
0x87: {  	v51 =	vld [tilespmem:$0x320];
	v40 =	vadd.s32 v21, v37;
	[tilespmem:$0x500] =	vst v36  }
0x88: {  	v49 =	vmul.u32 $0x5DC, v29;
	v62 =	vld [tilespmem:$0x3C0];
	[tilespmem:$0x510] =	vst v40  }
0x89: {  	v58 =	vld [tilespmem:$0x3B0];
	v53 =	vmul.u32 $0x5DC, v32;
	[tilespmem:$0x760] =	vst v35  }
0x8a: {  	v54 =	vld [tilespmem:$0x3A0];
	v0 =	vmul.u32 $0x5DC, v43;
	v52 =	vadd.s32 v31, v49;
	[tilespmem:$0x770] =	vst v39  }
0x8b: {  	v16 =	vld [tilespmem:$0x3D0];
	v24 =	vmul.u32 $0x5DC, v59;
	v56 =	vadd.s32 v34, v53;
	[tilespmem:$0x540] =	vst v52  }
0x8c: {  	v63 =	vld [tilespmem:$0x350];
	v21 =	vmul.u32 $0x5DC, v55;
	v0 =	vadd.s32 v46, v0;
	[tilespmem:$0x550] =	vst v56  }
0x8d: {  	v19 =	vld [tilespmem:$0x370];
	v57 =	vmul.u32 $0x5DC, v35;
	v28 =	vadd.s32 v62, v24;
	[tilespmem:$0x800] =	vst v0  }
0x8e: {  	v17 =	vld [tilespmem:$0x360];
	v61 =	vmul.u32 $0x5DC, v39;
	v26 =	vadd.s32 v58, v21;
	[tilespmem:$0x840] =	vst v28  }
0x8f: {  	v25 =	vld [tilespmem:$0x3F0];
	v2 =	vmul.u32 $0x5DC, v47;
	v60 =	vadd.s32 v38, v57;
	[tilespmem:$0x830] =	vst v26  }
0x90: {  	v22 =	vld [tilespmem:$0x3E0];
	v18 =	vmul.u32 $0x5DC, v51;
	v15 =	vadd.s32 v42, v61;
	[tilespmem:$0x560] =	vst v60  }
0x91: {  	v27 =	vmul.u32 $0x5DC, v63;
	v20 =	vadd.s32 v50, v2;
	[tilespmem:$0x570] =	vst v15  }
0x92: {  	v31 =	vmul.u32 $0x5DC, v19;
	v23 =	vadd.s32 v54, v18;
	[tilespmem:$0x810] =	vst v20  }
0x93: {  	[tilespmem:$0x820] =	vst v23;
	v29 =	vmul.u32 $0x5DC, v17;
	v30 =	vadd.s32 v16, v27  }
0x94: {  	v33 =	vadd.s32 v25, v31;
	[tilespmem:$0x850] =	vst v30  }
0x95: {  	[tilespmem:$0x870] =	vst v33;
	v32 =	vadd.s32 v22, v29  }
0x96: {  	[tilespmem:$0x860] =	vst v32  }
0x97: {  	[tilespmem:s16], [sflag:$0x1] =	stream.indirect.gather [hbm4b:s3+s14], $0x1, s15, s14, $0xb8;
	[tilespmem:$0xE00] =	vst v63  }
0x98: {  	_ = 	snop  }
0x99: {  	[tilespmem:s18], [sflag:$0x1] =	stream.indirect.gather [hbm4b:s4+s14], $0x1, s17, s14, $0xb8;
	[tilespmem:$0xE00] =	vst v63  }
0x9a: {  	_ = 	snop  }
0x9b: {  	[tilespmem:s20], [sflag:$0x1] =	stream.indirect.gather [hbm4b:s3+s14], $0x1, s19, s14, $0xb8;
	[tilespmem:$0xE00] =	vst v63  }
0x9c: {  	_ = 	snop  }
0x9d: {  	[tilespmem:s22], [sflag:$0x1] =	stream.indirect.gather [hbm4b:s4+s14], $0x1, s21, s14, $0xb8;
	[tilespmem:$0xE00] =	vst v63  }
0x9e: {  	_ = 	snop  }
0x9f: {  	[tilespmem:s24], [sflag:$0x1] =	stream.indirect.gather [hbm4b:s3+s14], $0x1, s23, s14, $0xb8;
	[tilespmem:$0xE00] =	vst v63  }
0xa0: {  	_ = 	snop  }
0xa1: {  	[tilespmem:s26], [sflag:$0x1] =	stream.indirect.gather [hbm4b:s4+s14], $0x1, s25, s14, $0xb8;
	[tilespmem:$0xE00] =	vst v63  }
0xa2: {  	_ = 	snop  }
0xa3: {  	[tilespmem:s29], [sflag:$0x1] =	stream.indirect.gather [hbm4b:s3+s14], $0x1, s28, s14, $0xb8;
	[tilespmem:$0xE00] =	vst v63  }
0xa4: {  	_ =	swait.ge [sflag:s30], $0x80  }
0xa5: {  	[sflag:s30] =	ssyncset.done $0x0  }
0xa6: {  	[sflag:s30] =	ssyncadd.s32 $0xFFFFFF80  }
0xa7: {  	_ =	swait.ge [sflag:s30], $0x80  }
0xa8: {  	[sflag:s30] =	ssyncset.done $0x0  }
0xa9: {  	[sflag:s30] =	ssyncadd.s32 $0xFFFFFF80  }
0xaa: {  	_ =	swait.ge [sflag:s30], $0x80  }
0xab: {  	[sflag:s30] =	ssyncset.done $0x0  }
0xac: {  	[sflag:s30] =	ssyncadd.s32 $0xFFFFFF80  }
0xad: {  	_ =	swait.ge [sflag:s30], $0x80  }
0xae: {  	[sflag:s30] =	ssyncset.done $0x0  }
0xaf: {  	[sflag:s30] =	ssyncadd.s32 $0xFFFFFF80  }
0xb0: {  	_ =	swait.ge [sflag:s30], $0x80  }
0xb1: {  	[sflag:s30] =	ssyncset.done $0x0  }
0xb2: {  	[sflag:s30] =	ssyncadd.s32 $0xFFFFFF80  }
0xb3: {  	_ =	swait.ge [sflag:s30], $0x80  }
0xb4: {  	[sflag:s30] =	ssyncset.done $0x0  }
0xb5: {  	[sflag:s30] =	ssyncadd.s32 $0xFFFFFF80  }
0xb6: {  	_ =	swait.ge [sflag:s30], $0x80  }
0xb7: {  	[sflag:s30] =	ssyncset.done $0x0  }
0xb8: {  	s1 =	sld [smem:$0x7ED];
	[sflag:s30] =	ssyncadd.s32 $0xFFFFFF80  }
0xb9: {  	v34 =	vld [tilespmem:$0x880]  }
0xba: {  	v35 =	vld [tilespmem:$0xA00]  }
0xbb: {  	p4 =	seq.s32 s1, $0x1;
	s1 =	sld [smem:$0x7E5];
	_ =	sdelay $0x2  }
0xbc: {  	v38 =	vld [tilespmem:$0x8A0];
	p3 =	seq.s32 s1, $0x1;
	s1 =	sld [smem:$0x7E6]  }
0xbd: {  	v39 =	vld [tilespmem:$0xA20];
	v1 =	vadd.f32 $0.0e+00, v35;
	v0 =	vadd.f32 $0.0e+00, v34;
	_ =	sdelay $0x1  }
0xbe: {  	v40 =	vld [tilespmem:$0x8B0];
	v1 =	vpsel !p4, $0x0, v1;
	v0 =	vpsel !p4, $0x0, v0;
	p4 =	seq.s32 s1, $0x1;
	s1 =	sld [smem:$0x7E7]  }
0xbf: {  	v41 =	vld [tilespmem:$0xA30];
	_ =	sdelay $0x1  }
0xc0: {  	v42 =	vld [tilespmem:$0x8C0];
	v50 =	vpsel !p4, $0x0, v39;
	v4 =	vpsel !p4, $0x0, v38;
	p4 =	seq.s32 s1, $0x1;
	s1 =	sld [smem:$0x7E8]  }
0xc1: {  	v43 =	vld [tilespmem:$0xA40];
	_ =	sdelay $0x1  }
0xc2: {  	v44 =	vld [tilespmem:$0x8D0];
	v53 =	vpsel !p4, $0x0, v41;
	v6 =	vpsel !p4, $0x0, v40;
	p4 =	seq.s32 s1, $0x1;
	s1 =	sld [smem:$0x7E9]  }
0xc3: {  	v45 =	vld [tilespmem:$0xA50];
	_ =	sdelay $0x1  }
0xc4: {  	v46 =	vld [tilespmem:$0x8E0];
	v56 =	vpsel !p4, $0x0, v43;
	v8 =	vpsel !p4, $0x0, v42;
	p4 =	seq.s32 s1, $0x1;
	s1 =	sld [smem:$0x7EA]  }
0xc5: {  	v47 =	vld [tilespmem:$0xA60]  }
0xc6: {  	v37 =	vld [tilespmem:$0xA10]  }
0xc7: {  	v48 =	vld [tilespmem:$0x8F0];
	v59 =	vpsel !p4, $0x0, v45;
	v10 =	vpsel !p4, $0x0, v44;
	p4 =	seq.s32 s1, $0x1;
	s1 =	sld [smem:$0x7EB]  }
0xc8: {  	v49 =	vld [tilespmem:$0xA70]  }
0xc9: {  	v36 =	vld [tilespmem:$0x890]  }
0xca: {  	v51 =	vld [tilespmem:$0x900];
	v62 =	vpsel !p4, $0x0, v47;
	v12 =	vpsel !p4, $0x0, v46;
	p4 =	seq.s32 s1, $0x1;
	s1 =	sld [smem:$0x7EC]  }
0xcb: {  	v52 =	vld [tilespmem:$0xA80]  }
0xcc: {  	v3 =	vpsel !p3, $0x0, v37  }
0xcd: {  	v54 =	vld [tilespmem:$0x910];
	v1 =	vadd.f32 v3, v1;
	v3 =	vpsel !p4, $0x0, v49;
	v14 =	vpsel !p4, $0x0, v48;
	p4 =	seq.s32 s1, $0x1;
	s1 =	sld [smem:$0x7EE]  }
0xce: {  	v55 =	vld [tilespmem:$0xA90]  }
0xcf: {  	v2 =	vpsel !p3, $0x0, v36  }
0xd0: {  	v57 =	vld [tilespmem:$0x920];
	v0 =	vadd.f32 v2, v0;
	v2 =	vpsel !p4, $0x0, v52;
	v5 =	vpsel !p4, $0x0, v51;
	p4 =	seq.s32 s1, $0x1;
	s1 =	sld [smem:$0x7EF]  }
0xd1: {  	v58 =	vld [tilespmem:$0xAA0]  }
0xd2: {  	v1 =	vadd.f32 v50, v1  }
0xd3: {  	v60 =	vld [tilespmem:$0x930];
	v0 =	vadd.f32 v4, v0;
	v4 =	vpsel !p4, $0x0, v55;
	v7 =	vpsel !p4, $0x0, v54;
	p4 =	seq.s32 s1, $0x1;
	s1 =	sld [smem:$0x7F0]  }
0xd4: {  	v61 =	vld [tilespmem:$0xAB0]  }
0xd5: {  	v1 =	vadd.f32 v53, v1  }
0xd6: {  	v63 =	vld [tilespmem:$0x940];
	v0 =	vadd.f32 v6, v0;
	v6 =	vpsel !p4, $0x0, v58;
	v9 =	vpsel !p4, $0x0, v57;
	p4 =	seq.s32 s1, $0x1;
	s1 =	sld [smem:$0x7F1]  }
0xd7: {  	v16 =	vld [tilespmem:$0xAC0];
	v1 =	vadd.f32 v56, v1  }
0xd8: {  	v0 =	vadd.f32 v8, v0  }
0xd9: {  	v17 =	vld [tilespmem:$0x950];
	v1 =	vadd.f32 v59, v1;
	v8 =	vpsel !p4, $0x0, v61;
	v11 =	vpsel !p4, $0x0, v60;
	p4 =	seq.s32 s1, $0x1;
	s1 =	sld [smem:$0x7F2]  }
0xda: {  	v18 =	vld [tilespmem:$0xAD0];
	v0 =	vadd.f32 v10, v0  }
0xdb: {  	v1 =	vadd.f32 v62, v1  }
0xdc: {  	v19 =	vld [tilespmem:$0x960];
	v0 =	vadd.f32 v12, v0;
	v10 =	vpsel !p4, $0x0, v16;
	v13 =	vpsel !p4, $0x0, v63;
	p4 =	seq.s32 s1, $0x1;
	s1 =	sld [smem:$0x7F3]  }
0xdd: {  	v20 =	vld [tilespmem:$0xAE0];
	v1 =	vadd.f32 v3, v1  }
0xde: {  	v0 =	vadd.f32 v14, v0  }
0xdf: {  	v21 =	vld [tilespmem:$0x970];
	v1 =	vadd.f32 v2, v1;
	v3 =	vpsel !p4, $0x0, v18;
	v12 =	vpsel !p4, $0x0, v17;
	p4 =	seq.s32 s1, $0x1;
	s1 =	sld [smem:$0x7F4]  }
0xe0: {  	v22 =	vld [tilespmem:$0xAF0];
	v0 =	vadd.f32 v5, v0  }
0xe1: {  	v1 =	vadd.f32 v4, v1  }
0xe2: {  	v23 =	vld [tilespmem:$0x980];
	v0 =	vadd.f32 v7, v0;
	v2 =	vpsel !p4, $0x0, v20;
	v14 =	vpsel !p4, $0x0, v19;
	p4 =	seq.s32 s1, $0x1;
	s1 =	sld [smem:$0x7F5]  }
0xe3: {  	v24 =	vld [tilespmem:$0xB00];
	v1 =	vadd.f32 v6, v1  }
0xe4: {  	v25 =	vld [tilespmem:$0x990];
	v0 =	vadd.f32 v9, v0  }
0xe5: {  	v26 =	vld [tilespmem:$0xB10];
	v1 =	vadd.f32 v8, v1;
	v4 =	vpsel !p4, $0x0, v22;
	v5 =	vpsel !p4, $0x0, v21;
	p4 =	seq.s32 s1, $0x1;
	s1 =	sld [smem:$0x7F6]  }
0xe6: {  	v27 =	vld [tilespmem:$0x9A0];
	v0 =	vadd.f32 v11, v0  }
0xe7: {  	v28 =	vld [tilespmem:$0xB20];
	v1 =	vadd.f32 v10, v1  }
0xe8: {  	v29 =	vld [tilespmem:$0x9B0];
	v0 =	vadd.f32 v13, v0;
	v35 =	vpsel !p4, $0x0, v24;
	v7 =	vpsel !p4, $0x0, v23;
	p4 =	seq.s32 s1, $0x1;
	s1 =	sld [smem:$0x7F7]  }
0xe9: {  	v30 =	vld [tilespmem:$0xB30];
	v1 =	vadd.f32 v3, v1  }
0xea: {  	v31 =	vld [tilespmem:$0x9C0];
	v0 =	vadd.f32 v12, v0  }
0xeb: {  	v33 =	vld [tilespmem:$0xB80];
	v1 =	vadd.f32 v2, v1;
	v38 =	vpsel !p4, $0x0, v26;
	v9 =	vpsel !p4, $0x0, v25;
	p4 =	seq.s32 s1, $0x1;
	s1 =	sld [smem:$0x7F8]  }
0xec: {  	v37 =	vld [tilespmem:$0xBA0];
	v0 =	vadd.f32 v14, v0  }
0xed: {  	v32 =	vld [tilespmem:$0xB40];
	v1 =	vadd.f32 v4, v1  }
0xee: {  	v36 =	vld [tilespmem:$0xB90];
	v0 =	vadd.f32 v5, v0;
	v42 =	vpsel !p4, $0x0, v28;
	v44 =	vpsel !p4, $0x0, v27;
	p4 =	seq.s32 s1, $0x1;
	s1 =	sld [smem:$0x7F9]  }
0xef: {  	v41 =	vld [tilespmem:$0xBB0];
	v1 =	vadd.f32 v35, v1  }
0xf0: {  	v34 =	vld [tilespmem:$0x9D0];
	v0 =	vadd.f32 v7, v0  }
0xf1: {  	v39 =	vld [tilespmem:$0xB50];
	v40 =	vadd.f32 $0.0e+00, v33;
	v1 =	vadd.f32 v38, v1;
	v5 =	vpsel !p4, $0x0, v37;
	p4 =	seq.s32 s1, $0x1;
	s1 =	sld [smem:$0x7FA]  }
0xf2: {  	v45 =	vld [tilespmem:$0xBC0];
	v0 =	vadd.f32 v9, v0  }
0xf3: {  	v43 =	vld [tilespmem:$0x9E0];
	v6 =	vadd.f32 v36, v40;
	v1 =	vadd.f32 v42, v1  }
0xf4: {  	v46 =	vld [tilespmem:$0xB60];
	v3 =	vpsel !p5, $0x0, v30;
	v0 =	vadd.f32 v44, v0;
	v50 =	vpsel !p4, $0x0, v41;
	p4 =	seq.s32 s1, $0x1;
	s1 =	sld [smem:$0x7FB]  }
0xf5: {  	v47 =	vpsel !p5, $0x0, v29;
	v48 =	vld [tilespmem:$0xBD0];
	v1 =	vadd.f32 v3, v1;
	v5 =	vadd.f32 v5, v6  }
0xf6: {  	v49 =	vld [tilespmem:$0xB70];
	v51 =	vpsel !p6, $0x0, v31;
	v2 =	vpsel !p6, $0x0, v32;
	v0 =	vadd.f32 v47, v0  }
0xf7: {  	v52 =	vld [tilespmem:$0xBE0];
	v1 =	vadd.f32 v2, v1;
	v5 =	vadd.f32 v50, v5;
	v7 =	vpsel !p4, $0x0, v45;
	p4 =	seq.s32 s1, $0x1;
	s1 =	sld [smem:$0x7FC]  }
0xf8: {  	v53 =	vpsel !p0, $0x0, v39;
	v54 =	vld [tilespmem:$0x9F0];
	v0 =	vadd.f32 v51, v0  }
0xf9: {  	v55 =	vpsel !p0, $0x0, v34;
	v57 =	vld [tilespmem:$0xBF0];
	v1 =	vadd.f32 v53, v1;
	v56 =	vadd.f32 v7, v5  }
0xfa: {  	v58 =	vpsel !p1, $0x0, v46;
	v0 =	vadd.f32 v55, v0;
	v6 =	vpsel !p4, $0x0, v48;
	p4 =	seq.s32 s1, $0x1;
	s1 =	sld [smem:$0x7FD]  }
0xfb: {  	v60 =	vpsel !p1, $0x0, v43;
	v1 =	vadd.f32 v58, v1;
	v59 =	vadd.f32 v6, v56  }
0xfc: {  	v3 =	vpsel !p2, $0x0, v49;
	v0 =	vadd.f32 v60, v0;
	v61 =	vpsel !p4, $0x0, v52  }
0xfd: {  	v62 =	vpsel !p2, $0x0, v54;
	v1 =	vadd.f32 v3, v1;
	v2 =	vadd.f32 v61, v59;
	p4 =	seq.s32 s1, $0x1  }
0xfe: {  	v0 =	vadd.f32 v62, v0;
	v63 =	vpsel !p4, $0x0, v57  }
0xff: {  	[tilespmem:$0xC00] =	vst v1;
	v2 =	vadd.f32 v63, v2  }
0x100: {  	p3 =	sne.s32 s9, $0x1;
	[tilespmem:$0xC80] =	vst v0  }
.Ltmp0:
0x101: {  	[tilespmem:$0xD00] =	vst v2;
	(pc) =	sbr.rel @p3 .LBB2_1-.Ltmp0, $4  }
0x102: {  	[hbm4b:s8+s2] =	stream.linear.scatter [tilespmem:s31], [sflag:$0x2], $0x180, $0x38;
	[tilespmem:$0xE00] =	vst v63  }
0x103: {  	_ =	swait.ge [sflag:s10], $0x180  }
0x104: {  	[sflag:s10] =	ssyncset.done $0x0  }
0x105: {  	s9 =	sadd.s32 $0xFFFFFFFF, s9;
	[sflag:s10] =	ssyncadd.s32 $0xFFFFFE80  }
0x106: {  	_ =	sfence.sel $0x180000  }
0x107: {  	[bflag:$0x0] =	sbarrier.arrive $0xFFFF  }
0x108: {  	_ =	strace $0x90000047  }
0x109: {  	s0 =	stileid.u32;
	[bflag:$0x2] =	sbarrier.arrive $0xFFFF  }
0x10a: {  	p0 =	sne.s32 s0, $0x0;
	s0 =	rddreg [dreg:$0x1]  }
0x10b: {  	s0 =	sadd.s32 @!p0 $0x100000, s0  }
0x10c: {  	[sflag:s0] =	ssyncadd.tile.s32 @!p0 $0x1;
	_ =	shalt  }
.Lfunc_end2:
_tile_overlayer_lowered:
.L_overlay_start_2:
0x10d: {  	(tag) =	ssettag $0x2  }
0x10e: {  	s0 =	rddreg [dreg:$0x0];
	s2 =	stileid.u32  }
0x10f: {  	s1 =	rddreg [dreg:$0x1];
	p0 =	sne.s32 s2, $0x0  }
0x110: {  	s3 =	rddreg [dreg:$0x2];
	[bflag:$0x3] =	sbarrier.arrive $0xFFFF;
	s2 =	simm.s32 @!p0 $0x1C02  }
0x111: {  	[timem:s3], [sflag:s2] =	dma.local @!p0 [hbm:s0], s1  }
0x112: {  	s0 =	simm.s32 @!p0 $0x2  }
0x113: {  	_ =	swait.ge @!p0 [sflag:s0], s1  }
0x114: {  	s1 =	ssub.s32 @!p0 $0x0, s1;
	[sflag:s0] =	ssyncset.done @!p0 $0x0  }
0x115: {  	[sflag:s0] =	ssyncadd.s32 @!p0 s1  }
0x116: {  	[bflag:$0x3] =	sbarrier.arrive $0xFFFF  }
0x117: {  	_ =	shalt  }

</sc_bundles>
